<compile_context>
chip_gen: v7x
topology: tpu7x:2x2x1
jax: 0.10.2.dev20260603
libtpu: 0.0.44.dev20260713+nightly
codegen_flags: <defaults>
</compile_context>

<pallas_src>
import jax
import jax.numpy as jnp
from jax import lax
from jax.experimental import layout as jlayout
from jax.experimental import pallas as pl
from jax.experimental.pallas import tpu as pltpu
from jax.experimental.pallas import tpu_sc as plsc

B = 16384
D = 32
L = 16
NC = 2
NS = 16
NW = NC * NS
BPW = B // NW
CH = 128
NCH = BPW // CH
TPAD = BPW + 1


def _gmf_body(user_hbm, item_hbm, ut_hbm, it_hbm, w_hbm, out_hbm,
              idx_u, idx_i, rows_u, rows_i, w_v, trans, out_v,
              sem_u, sem_i):
    c = lax.axis_index("c")
    s = lax.axis_index("s")
    wid = s * NC + c
    base_r = wid * NCH

    pltpu.sync_copy(user_hbm.at[pl.ds(base_r, NCH)], idx_u)
    pltpu.sync_copy(item_hbm.at[pl.ds(base_r, NCH)], idx_i)
    pltpu.sync_copy(w_hbm, w_v)

    copies = []
    for j in range(NCH):
        copies.append(pltpu.async_copy(
            ut_hbm.at[idx_u.at[j]], rows_u.at[pl.ds(j * CH, CH)], sem_u))
        copies.append(pltpu.async_copy(
            it_hbm.at[idx_i.at[j]], rows_i.at[pl.ds(j * CH, CH)], sem_i))
    for cp in copies:
        cp.wait()

    w0 = w_v[0, pl.ds(0, L)]
    w1 = w_v[0, pl.ds(L, L)]
    lane = lax.iota(jnp.int32, L)
    scatter_idx0 = lane * TPAD

    def row_body(i, carry):
        u0 = rows_u[i, pl.ds(0, L)]
        u1 = rows_u[i, pl.ds(L, L)]
        v0 = rows_i[i, pl.ds(0, L)]
        v1 = rows_i[i, pl.ds(L, L)]
        p = u0 * v0 * w0 + u1 * v1 * w1
        plsc.store_scatter(trans, [scatter_idx0 + i], p)
        return carry

    lax.fori_loop(0, BPW, row_body, 0, unroll=8)

    def group_body(g, carry):
        acc = trans[pl.ds(g * L, L)]
        for t in range(1, L):
            acc = acc + trans[pl.ds(t * TPAD + g * L, L)]
        out_v[pl.ds(g * L, L)] = 1.0 / (1.0 + jnp.exp(-acc))
        return carry

    lax.fori_loop(0, BPW // L, group_body, 0, unroll=2)

    pltpu.sync_copy(out_v, out_hbm.at[pl.ds(wid * BPW, BPW)])


@jax.jit
def kernel(user, item, user_table, item_table, W):
    mesh = plsc.VectorSubcoreMesh(core_axis_name="c", subcore_axis_name="s")
    run = pl.kernel(
        _gmf_body,
        mesh=mesh,
        compiler_params=pltpu.CompilerParams(
            needs_layout_passes=False, use_tc_tiling_on_sc=False),
        out_type=jax.ShapeDtypeStruct((B,), jnp.float32),
        scratch_types=[
            pltpu.VMEM((NCH, CH), jnp.int32),
            pltpu.VMEM((NCH, CH), jnp.int32),
            pltpu.VMEM((BPW, D), jnp.float32),
            pltpu.VMEM((BPW, D), jnp.float32),
            pltpu.VMEM((1, D), jnp.float32),
            pltpu.VMEM((L * TPAD,), jnp.float32),
            pltpu.VMEM((BPW,), jnp.float32),
            pltpu.SemaphoreType.DMA,
            pltpu.SemaphoreType.DMA,
        ],
    )
    user2 = user.astype(jnp.int32).reshape(B // CH, CH)
    item2 = item.astype(jnp.int32).reshape(B // CH, CH)
    rm = jlayout.Layout(major_to_minor=(0, 1), tiling=((8,), (1024,)))
    ut_rm = jlayout.with_layout_constraint(user_table, rm)
    it_rm = jlayout.with_layout_constraint(item_table, rm)
    return run(user2, item2, ut_rm, it_rm, W)

# --- scband reference (transcript-rebuilt; emitter-appended) ---
"""Pipeline reference for scband-gmf-16166256902497 (READ-ONLY COPY).

The authoritative reference and input builder live on the scoring server;
editing this copy changes nothing except your own understanding.
"""

import jax, jax.numpy as jnp
import numpy as np

N_USERS = 1000000
N_ITEMS = 100000
EMB_DIM = 32
BATCH = 16384

def setup_inputs(seed: int = 0) -> dict:
    key = jax.random.key(seed)
    k_user, k_item, k_ut, k_it, k_w = jax.random.split(key, 5)
    user = jax.random.randint(k_user, (BATCH,), 0, N_USERS, dtype=jnp.int64 if jax.config.jax_enable_x64 else jnp.int32)
    item = jax.random.randint(k_item, (BATCH,), 0, N_ITEMS, dtype=jnp.int64 if jax.config.jax_enable_x64 else jnp.int32)
    user_table = jax.random.normal(k_ut, (N_USERS, EMB_DIM), dtype=jnp.float32) * 0.01
    item_table = jax.random.normal(k_it, (N_ITEMS, EMB_DIM), dtype=jnp.float32) * 0.01
    # Linear(emb_dim, 1, bias=False) weight, kaiming-uniform-ish init
    bound = float(np.sqrt(6.0 / (1 + 1**2)) / np.sqrt(EMB_DIM))
    W = jax.random.uniform(k_w, (1, EMB_DIM), dtype=jnp.float32, minval=-bound, maxval=bound)
    return {"user": user, "item": item, "user_table": user_table, "item_table": item_table, "W": W}

def reference(user, item, user_table, item_table, W):
    user_emb = jnp.take(user_table, user, axis=0)          # [B, D]
    item_emb = jnp.take(item_table, item, axis=0)          # [B, D]
    gmf = user_emb * item_emb                              # [B, D]
    output = gmf @ W.T                                     # [B, 1]
    output = jax.nn.sigmoid(output)                        # activation_layer('sigmoid')
    return jnp.squeeze(output, axis=-1)                    # [B]

if __name__ == "__main__":
    import jax
    _d = setup_inputs()
    print(jax.jit(kernel)(*tuple(_d.values())))

</pallas_src>

<mosaic_0001>
#map = affine_map<(d0, d1) -> (0, 0)>
#map1 = affine_map<(d0, d1) -> (0)>
module attributes {stable_mosaic.version = 14 : i64} {
  func.func @_gmf_body(%arg0: i32, %arg1: i32, %arg2: memref<128x128xi32, #tpu.memory_space<hbm>>, %arg3: memref<128x128xi32, #tpu.memory_space<hbm>>, %arg4: memref<1000000x32xf32, #tpu.memory_space<hbm>>, %arg5: memref<100000x32xf32, #tpu.memory_space<hbm>>, %arg6: memref<1x32xf32, #tpu.memory_space<hbm>>, %arg7: memref<16384xf32, #tpu.memory_space<hbm>>, %arg8: memref<4x128xi32, #tpu.memory_space<vmem>>, %arg9: memref<4x128xi32, #tpu.memory_space<vmem>>, %arg10: memref<512x32xf32, #tpu.memory_space<vmem>>, %arg11: memref<512x32xf32, #tpu.memory_space<vmem>>, %arg12: memref<1x32xf32, #tpu.memory_space<vmem>>, %arg13: memref<8208xf32, #tpu.memory_space<vmem>>, %arg14: memref<512xf32, #tpu.memory_space<vmem>>, %arg15: memref<!tpu.dma_semaphore, #tpu.memory_space<semaphore_mem>>, %arg16: memref<!tpu.dma_semaphore, #tpu.memory_space<semaphore_mem>>) attributes {dimension_semantics = [#tpu.dimension_semantics<core_parallel>, #tpu.dimension_semantics<subcore_parallel>], iteration_bounds = array<i64: 2, 16>, scalar_prefetch = 0 : i64, scratch_operands = 9 : i64, tpu.core_type = #tpu.core_type<sc_vector_subcore>, window_params = [{transform_indices = #map}, {transform_indices = #map}, {transform_indices = #map}, {transform_indices = #map}, {transform_indices = #map}, {transform_indices = #map1}]} {
    %mul3A = arith.constant 2 : i32
    %mul3A_0 = arith.muli %arg1, %mul3A : i32
    %add3A = arith.addi %mul3A_0, %arg0 : i32
    %mul3A_1 = arith.constant 4 : i32
    %mul3A_2 = arith.muli %add3A, %mul3A_1 : i32
    "tpu.region"() ({
      %run_scoped3A = tpu.sem_alloc : memref<!tpu.dma_semaphore, #tpu.memory_space<semaphore_mem>>
      %dma_start3A_184 = arith.constant 0 : i32
      %dma_start3A_185 = tpu.memref_slice %arg2[%mul3A_2, %dma_start3A_184] : memref<128x128xi32, #tpu.memory_space<hbm>> -> memref<4x128xi32, #tpu.memory_space<hbm>>
      %dma_start3A_186 = arith.constant 0 : i32
      %dma_start3A_187 = tpu.memref_slice %arg2[%mul3A_2, %dma_start3A_186] : memref<128x128xi32, #tpu.memory_space<hbm>> -> memref<4x128xi32, #tpu.memory_space<hbm>>
      tpu.enqueue_dma source(%dma_start3A_187 : memref<4x128xi32, #tpu.memory_space<hbm>>) target(%arg8 : memref<4x128xi32, #tpu.memory_space<vmem>>) target_semaphore(%run_scoped3A : memref<!tpu.dma_semaphore, #tpu.memory_space<semaphore_mem>>)
      %dma_wait3A_188 = arith.constant 0 : i32
      %dma_wait3A_189 = tpu.memref_slice %arg2[%mul3A_2, %dma_wait3A_188] : memref<128x128xi32, #tpu.memory_space<hbm>> -> memref<4x128xi32, #tpu.memory_space<hbm>>
      %dma_wait3A_190 = arith.constant 0 : i32
      %dma_wait3A_191 = tpu.memref_slice %arg2[%mul3A_2, %dma_wait3A_190] : memref<128x128xi32, #tpu.memory_space<hbm>> -> memref<4x128xi32, #tpu.memory_space<hbm>>
      tpu.wait_dma2 semaphore(%run_scoped3A : memref<!tpu.dma_semaphore, #tpu.memory_space<semaphore_mem>>) src(%dma_wait3A_191 : memref<4x128xi32, #tpu.memory_space<hbm>>) dst(%arg8 : memref<4x128xi32, #tpu.memory_space<vmem>>)
      tpu.yield
    }) : () -> ()
    "tpu.region"() ({
      %run_scoped3A = tpu.sem_alloc : memref<!tpu.dma_semaphore, #tpu.memory_space<semaphore_mem>>
      %dma_start3A_184 = arith.constant 0 : i32
      %dma_start3A_185 = tpu.memref_slice %arg3[%mul3A_2, %dma_start3A_184] : memref<128x128xi32, #tpu.memory_space<hbm>> -> memref<4x128xi32, #tpu.memory_space<hbm>>
      %dma_start3A_186 = arith.constant 0 : i32
      %dma_start3A_187 = tpu.memref_slice %arg3[%mul3A_2, %dma_start3A_186] : memref<128x128xi32, #tpu.memory_space<hbm>> -> memref<4x128xi32, #tpu.memory_space<hbm>>
      tpu.enqueue_dma source(%dma_start3A_187 : memref<4x128xi32, #tpu.memory_space<hbm>>) target(%arg9 : memref<4x128xi32, #tpu.memory_space<vmem>>) target_semaphore(%run_scoped3A : memref<!tpu.dma_semaphore, #tpu.memory_space<semaphore_mem>>)
      %dma_wait3A_188 = arith.constant 0 : i32
      %dma_wait3A_189 = tpu.memref_slice %arg3[%mul3A_2, %dma_wait3A_188] : memref<128x128xi32, #tpu.memory_space<hbm>> -> memref<4x128xi32, #tpu.memory_space<hbm>>
      %dma_wait3A_190 = arith.constant 0 : i32
      %dma_wait3A_191 = tpu.memref_slice %arg3[%mul3A_2, %dma_wait3A_190] : memref<128x128xi32, #tpu.memory_space<hbm>> -> memref<4x128xi32, #tpu.memory_space<hbm>>
      tpu.wait_dma2 semaphore(%run_scoped3A : memref<!tpu.dma_semaphore, #tpu.memory_space<semaphore_mem>>) src(%dma_wait3A_191 : memref<4x128xi32, #tpu.memory_space<hbm>>) dst(%arg9 : memref<4x128xi32, #tpu.memory_space<vmem>>)
      tpu.yield
    }) : () -> ()
    "tpu.region"() ({
      %run_scoped3A = tpu.sem_alloc : memref<!tpu.dma_semaphore, #tpu.memory_space<semaphore_mem>>
      tpu.enqueue_dma source(%arg6 : memref<1x32xf32, #tpu.memory_space<hbm>>) target(%arg12 : memref<1x32xf32, #tpu.memory_space<vmem>>) target_semaphore(%run_scoped3A : memref<!tpu.dma_semaphore, #tpu.memory_space<semaphore_mem>>)
      tpu.wait_dma2 semaphore(%run_scoped3A : memref<!tpu.dma_semaphore, #tpu.memory_space<semaphore_mem>>) src(%arg6 : memref<1x32xf32, #tpu.memory_space<hbm>>) dst(%arg12 : memref<1x32xf32, #tpu.memory_space<vmem>>)
      tpu.yield
    }) : () -> ()
    %dma_start3A = arith.constant 0 : i32
    %dma_start3A_3 = arith.constant 0 : i32
    %dma_start3A_4 = arith.constant 0 : i32
    %dma_start3A_5 = tpu.memref_slice %arg10[%dma_start3A_3, %dma_start3A_4] : memref<512x32xf32, #tpu.memory_space<vmem>> -> memref<128x32xf32, #tpu.memory_space<vmem>>
    %dma_start3A_6 = arith.constant 0 : i32
    %dma_start3A_7 = tpu.memref_slice %arg8[%dma_start3A, %dma_start3A_6] : memref<4x128xi32, #tpu.memory_space<vmem>> -> memref<1x128xi32, #tpu.memory_space<vmem>>
    %dma_start3A_8 = tpu.memref_squeeze %dma_start3A_7 : memref<1x128xi32, #tpu.memory_space<vmem>> -> memref<128xi32, #tpu.memory_space<vmem>>
    %dma_start3A_9 = arith.constant 0 : i32
    %dma_start3A_10 = arith.constant 0 : i32
    %dma_start3A_11 = tpu.memref_slice %arg4[%dma_start3A_9, %dma_start3A_10] : memref<1000000x32xf32, #tpu.memory_space<hbm>> -> memref<1000000x32xf32, #tpu.memory_space<hbm>>
    tpu.enqueue_indirect_dma source(%dma_start3A_11 : memref<1000000x32xf32, #tpu.memory_space<hbm>>) target(%dma_start3A_5 : memref<128x32xf32, #tpu.memory_space<vmem>>) offsets(%dma_start3A_8 : memref<128xi32, #tpu.memory_space<vmem>>) semaphore(%arg15 : memref<!tpu.dma_semaphore, #tpu.memory_space<semaphore_mem>>)
    %dma_start3A_12 = arith.constant 0 : i32
    %dma_start3A_13 = arith.constant 0 : i32
    %dma_start3A_14 = arith.constant 0 : i32
    %dma_start3A_15 = tpu.memref_slice %arg11[%dma_start3A_13, %dma_start3A_14] : memref<512x32xf32, #tpu.memory_space<vmem>> -> memref<128x32xf32, #tpu.memory_space<vmem>>
    %dma_start3A_16 = arith.constant 0 : i32
    %dma_start3A_17 = tpu.memref_slice %arg9[%dma_start3A_12, %dma_start3A_16] : memref<4x128xi32, #tpu.memory_space<vmem>> -> memref<1x128xi32, #tpu.memory_space<vmem>>
    %dma_start3A_18 = tpu.memref_squeeze %dma_start3A_17 : memref<1x128xi32, #tpu.memory_space<vmem>> -> memref<128xi32, #tpu.memory_space<vmem>>
    %dma_start3A_19 = arith.constant 0 : i32
    %dma_start3A_20 = arith.constant 0 : i32
    %dma_start3A_21 = tpu.memref_slice %arg5[%dma_start3A_19, %dma_start3A_20] : memref<100000x32xf32, #tpu.memory_space<hbm>> -> memref<100000x32xf32, #tpu.memory_space<hbm>>
    tpu.enqueue_indirect_dma source(%dma_start3A_21 : memref<100000x32xf32, #tpu.memory_space<hbm>>) target(%dma_start3A_15 : memref<128x32xf32, #tpu.memory_space<vmem>>) offsets(%dma_start3A_18 : memref<128xi32, #tpu.memory_space<vmem>>) semaphore(%arg16 : memref<!tpu.dma_semaphore, #tpu.memory_space<semaphore_mem>>)
    %dma_start3A_22 = arith.constant 1 : i32
    %dma_start3A_23 = arith.constant 128 : i32
    %dma_start3A_24 = arith.constant 0 : i32
    %dma_start3A_25 = tpu.memref_slice %arg10[%dma_start3A_23, %dma_start3A_24] : memref<512x32xf32, #tpu.memory_space<vmem>> -> memref<128x32xf32, #tpu.memory_space<vmem>>
    %dma_start3A_26 = arith.constant 0 : i32
    %dma_start3A_27 = tpu.memref_slice %arg8[%dma_start3A_22, %dma_start3A_26] : memref<4x128xi32, #tpu.memory_space<vmem>> -> memref<1x128xi32, #tpu.memory_space<vmem>>
    %dma_start3A_28 = tpu.memref_squeeze %dma_start3A_27 : memref<1x128xi32, #tpu.memory_space<vmem>> -> memref<128xi32, #tpu.memory_space<vmem>>
    %dma_start3A_29 = arith.constant 0 : i32
    %dma_start3A_30 = arith.constant 0 : i32
    %dma_start3A_31 = tpu.memref_slice %arg4[%dma_start3A_29, %dma_start3A_30] : memref<1000000x32xf32, #tpu.memory_space<hbm>> -> memref<1000000x32xf32, #tpu.memory_space<hbm>>
    tpu.enqueue_indirect_dma source(%dma_start3A_31 : memref<1000000x32xf32, #tpu.memory_space<hbm>>) target(%dma_start3A_25 : memref<128x32xf32, #tpu.memory_space<vmem>>) offsets(%dma_start3A_28 : memref<128xi32, #tpu.memory_space<vmem>>) semaphore(%arg15 : memref<!tpu.dma_semaphore, #tpu.memory_space<semaphore_mem>>)
    %dma_start3A_32 = arith.constant 1 : i32
    %dma_start3A_33 = arith.constant 128 : i32
    %dma_start3A_34 = arith.constant 0 : i32
    %dma_start3A_35 = tpu.memref_slice %arg11[%dma_start3A_33, %dma_start3A_34] : memref<512x32xf32, #tpu.memory_space<vmem>> -> memref<128x32xf32, #tpu.memory_space<vmem>>
    %dma_start3A_36 = arith.constant 0 : i32
    %dma_start3A_37 = tpu.memref_slice %arg9[%dma_start3A_32, %dma_start3A_36] : memref<4x128xi32, #tpu.memory_space<vmem>> -> memref<1x128xi32, #tpu.memory_space<vmem>>
    %dma_start3A_38 = tpu.memref_squeeze %dma_start3A_37 : memref<1x128xi32, #tpu.memory_space<vmem>> -> memref<128xi32, #tpu.memory_space<vmem>>
    %dma_start3A_39 = arith.constant 0 : i32
    %dma_start3A_40 = arith.constant 0 : i32
    %dma_start3A_41 = tpu.memref_slice %arg5[%dma_start3A_39, %dma_start3A_40] : memref<100000x32xf32, #tpu.memory_space<hbm>> -> memref<100000x32xf32, #tpu.memory_space<hbm>>
    tpu.enqueue_indirect_dma source(%dma_start3A_41 : memref<100000x32xf32, #tpu.memory_space<hbm>>) target(%dma_start3A_35 : memref<128x32xf32, #tpu.memory_space<vmem>>) offsets(%dma_start3A_38 : memref<128xi32, #tpu.memory_space<vmem>>) semaphore(%arg16 : memref<!tpu.dma_semaphore, #tpu.memory_space<semaphore_mem>>)
    %dma_start3A_42 = arith.constant 2 : i32
    %dma_start3A_43 = arith.constant 256 : i32
    %dma_start3A_44 = arith.constant 0 : i32
    %dma_start3A_45 = tpu.memref_slice %arg10[%dma_start3A_43, %dma_start3A_44] : memref<512x32xf32, #tpu.memory_space<vmem>> -> memref<128x32xf32, #tpu.memory_space<vmem>>
    %dma_start3A_46 = arith.constant 0 : i32
    %dma_start3A_47 = tpu.memref_slice %arg8[%dma_start3A_42, %dma_start3A_46] : memref<4x128xi32, #tpu.memory_space<vmem>> -> memref<1x128xi32, #tpu.memory_space<vmem>>
    %dma_start3A_48 = tpu.memref_squeeze %dma_start3A_47 : memref<1x128xi32, #tpu.memory_space<vmem>> -> memref<128xi32, #tpu.memory_space<vmem>>
    %dma_start3A_49 = arith.constant 0 : i32
    %dma_start3A_50 = arith.constant 0 : i32
    %dma_start3A_51 = tpu.memref_slice %arg4[%dma_start3A_49, %dma_start3A_50] : memref<1000000x32xf32, #tpu.memory_space<hbm>> -> memref<1000000x32xf32, #tpu.memory_space<hbm>>
    tpu.enqueue_indirect_dma source(%dma_start3A_51 : memref<1000000x32xf32, #tpu.memory_space<hbm>>) target(%dma_start3A_45 : memref<128x32xf32, #tpu.memory_space<vmem>>) offsets(%dma_start3A_48 : memref<128xi32, #tpu.memory_space<vmem>>) semaphore(%arg15 : memref<!tpu.dma_semaphore, #tpu.memory_space<semaphore_mem>>)
    %dma_start3A_52 = arith.constant 2 : i32
    %dma_start3A_53 = arith.constant 256 : i32
    %dma_start3A_54 = arith.constant 0 : i32
    %dma_start3A_55 = tpu.memref_slice %arg11[%dma_start3A_53, %dma_start3A_54] : memref<512x32xf32, #tpu.memory_space<vmem>> -> memref<128x32xf32, #tpu.memory_space<vmem>>
    %dma_start3A_56 = arith.constant 0 : i32
    %dma_start3A_57 = tpu.memref_slice %arg9[%dma_start3A_52, %dma_start3A_56] : memref<4x128xi32, #tpu.memory_space<vmem>> -> memref<1x128xi32, #tpu.memory_space<vmem>>
    %dma_start3A_58 = tpu.memref_squeeze %dma_start3A_57 : memref<1x128xi32, #tpu.memory_space<vmem>> -> memref<128xi32, #tpu.memory_space<vmem>>
    %dma_start3A_59 = arith.constant 0 : i32
    %dma_start3A_60 = arith.constant 0 : i32
    %dma_start3A_61 = tpu.memref_slice %arg5[%dma_start3A_59, %dma_start3A_60] : memref<100000x32xf32, #tpu.memory_space<hbm>> -> memref<100000x32xf32, #tpu.memory_space<hbm>>
    tpu.enqueue_indirect_dma source(%dma_start3A_61 : memref<100000x32xf32, #tpu.memory_space<hbm>>) target(%dma_start3A_55 : memref<128x32xf32, #tpu.memory_space<vmem>>) offsets(%dma_start3A_58 : memref<128xi32, #tpu.memory_space<vmem>>) semaphore(%arg16 : memref<!tpu.dma_semaphore, #tpu.memory_space<semaphore_mem>>)
    %dma_start3A_62 = arith.constant 3 : i32
    %dma_start3A_63 = arith.constant 384 : i32
    %dma_start3A_64 = arith.constant 0 : i32
    %dma_start3A_65 = tpu.memref_slice %arg10[%dma_start3A_63, %dma_start3A_64] : memref<512x32xf32, #tpu.memory_space<vmem>> -> memref<128x32xf32, #tpu.memory_space<vmem>>
    %dma_start3A_66 = arith.constant 0 : i32
    %dma_start3A_67 = tpu.memref_slice %arg8[%dma_start3A_62, %dma_start3A_66] : memref<4x128xi32, #tpu.memory_space<vmem>> -> memref<1x128xi32, #tpu.memory_space<vmem>>
    %dma_start3A_68 = tpu.memref_squeeze %dma_start3A_67 : memref<1x128xi32, #tpu.memory_space<vmem>> -> memref<128xi32, #tpu.memory_space<vmem>>
    %dma_start3A_69 = arith.constant 0 : i32
    %dma_start3A_70 = arith.constant 0 : i32
    %dma_start3A_71 = tpu.memref_slice %arg4[%dma_start3A_69, %dma_start3A_70] : memref<1000000x32xf32, #tpu.memory_space<hbm>> -> memref<1000000x32xf32, #tpu.memory_space<hbm>>
    tpu.enqueue_indirect_dma source(%dma_start3A_71 : memref<1000000x32xf32, #tpu.memory_space<hbm>>) target(%dma_start3A_65 : memref<128x32xf32, #tpu.memory_space<vmem>>) offsets(%dma_start3A_68 : memref<128xi32, #tpu.memory_space<vmem>>) semaphore(%arg15 : memref<!tpu.dma_semaphore, #tpu.memory_space<semaphore_mem>>)
    %dma_start3A_72 = arith.constant 3 : i32
    %dma_start3A_73 = arith.constant 384 : i32
    %dma_start3A_74 = arith.constant 0 : i32
    %dma_start3A_75 = tpu.memref_slice %arg11[%dma_start3A_73, %dma_start3A_74] : memref<512x32xf32, #tpu.memory_space<vmem>> -> memref<128x32xf32, #tpu.memory_space<vmem>>
    %dma_start3A_76 = arith.constant 0 : i32
    %dma_start3A_77 = tpu.memref_slice %arg9[%dma_start3A_72, %dma_start3A_76] : memref<4x128xi32, #tpu.memory_space<vmem>> -> memref<1x128xi32, #tpu.memory_space<vmem>>
    %dma_start3A_78 = tpu.memref_squeeze %dma_start3A_77 : memref<1x128xi32, #tpu.memory_space<vmem>> -> memref<128xi32, #tpu.memory_space<vmem>>
    %dma_start3A_79 = arith.constant 0 : i32
    %dma_start3A_80 = arith.constant 0 : i32
    %dma_start3A_81 = tpu.memref_slice %arg5[%dma_start3A_79, %dma_start3A_80] : memref<100000x32xf32, #tpu.memory_space<hbm>> -> memref<100000x32xf32, #tpu.memory_space<hbm>>
    tpu.enqueue_indirect_dma source(%dma_start3A_81 : memref<100000x32xf32, #tpu.memory_space<hbm>>) target(%dma_start3A_75 : memref<128x32xf32, #tpu.memory_space<vmem>>) offsets(%dma_start3A_78 : memref<128xi32, #tpu.memory_space<vmem>>) semaphore(%arg16 : memref<!tpu.dma_semaphore, #tpu.memory_space<semaphore_mem>>)
    %dma_wait3A = arith.constant 0 : i32
    %dma_wait3A_82 = arith.constant 0 : i32
    %dma_wait3A_83 = arith.constant 0 : i32
    %dma_wait3A_84 = tpu.memref_slice %arg10[%dma_wait3A_82, %dma_wait3A_83] : memref<512x32xf32, #tpu.memory_space<vmem>> -> memref<128x32xf32, #tpu.memory_space<vmem>>
    %dma_wait3A_85 = arith.constant 0 : i32
    %dma_wait3A_86 = tpu.memref_slice %arg8[%dma_wait3A, %dma_wait3A_85] : memref<4x128xi32, #tpu.memory_space<vmem>> -> memref<1x128xi32, #tpu.memory_space<vmem>>
    %dma_wait3A_87 = tpu.memref_squeeze %dma_wait3A_86 : memref<1x128xi32, #tpu.memory_space<vmem>> -> memref<128xi32, #tpu.memory_space<vmem>>
    %dma_wait3A_88 = arith.constant 0 : i32
    %dma_wait3A_89 = arith.constant 0 : i32
    %dma_wait3A_90 = tpu.memref_slice %arg4[%dma_wait3A_88, %dma_wait3A_89] : memref<1000000x32xf32, #tpu.memory_space<hbm>> -> memref<1000000x32xf32, #tpu.memory_space<hbm>>
    tpu.wait_indirect_dma semaphore(%arg15 : memref<!tpu.dma_semaphore, #tpu.memory_space<semaphore_mem>>) src(%dma_wait3A_90 : memref<1000000x32xf32, #tpu.memory_space<hbm>>) dst(%dma_wait3A_84 : memref<128x32xf32, #tpu.memory_space<vmem>>)
    %dma_wait3A_91 = arith.constant 0 : i32
    %dma_wait3A_92 = arith.constant 0 : i32
    %dma_wait3A_93 = arith.constant 0 : i32
    %dma_wait3A_94 = tpu.memref_slice %arg11[%dma_wait3A_92, %dma_wait3A_93] : memref<512x32xf32, #tpu.memory_space<vmem>> -> memref<128x32xf32, #tpu.memory_space<vmem>>
    %dma_wait3A_95 = arith.constant 0 : i32
    %dma_wait3A_96 = tpu.memref_slice %arg9[%dma_wait3A_91, %dma_wait3A_95] : memref<4x128xi32, #tpu.memory_space<vmem>> -> memref<1x128xi32, #tpu.memory_space<vmem>>
    %dma_wait3A_97 = tpu.memref_squeeze %dma_wait3A_96 : memref<1x128xi32, #tpu.memory_space<vmem>> -> memref<128xi32, #tpu.memory_space<vmem>>
    %dma_wait3A_98 = arith.constant 0 : i32
    %dma_wait3A_99 = arith.constant 0 : i32
    %dma_wait3A_100 = tpu.memref_slice %arg5[%dma_wait3A_98, %dma_wait3A_99] : memref<100000x32xf32, #tpu.memory_space<hbm>> -> memref<100000x32xf32, #tpu.memory_space<hbm>>
    tpu.wait_indirect_dma semaphore(%arg16 : memref<!tpu.dma_semaphore, #tpu.memory_space<semaphore_mem>>) src(%dma_wait3A_100 : memref<100000x32xf32, #tpu.memory_space<hbm>>) dst(%dma_wait3A_94 : memref<128x32xf32, #tpu.memory_space<vmem>>)
    %dma_wait3A_101 = arith.constant 1 : i32
    %dma_wait3A_102 = arith.constant 128 : i32
    %dma_wait3A_103 = arith.constant 0 : i32
    %dma_wait3A_104 = tpu.memref_slice %arg10[%dma_wait3A_102, %dma_wait3A_103] : memref<512x32xf32, #tpu.memory_space<vmem>> -> memref<128x32xf32, #tpu.memory_space<vmem>>
    %dma_wait3A_105 = arith.constant 0 : i32
    %dma_wait3A_106 = tpu.memref_slice %arg8[%dma_wait3A_101, %dma_wait3A_105] : memref<4x128xi32, #tpu.memory_space<vmem>> -> memref<1x128xi32, #tpu.memory_space<vmem>>
    %dma_wait3A_107 = tpu.memref_squeeze %dma_wait3A_106 : memref<1x128xi32, #tpu.memory_space<vmem>> -> memref<128xi32, #tpu.memory_space<vmem>>
    %dma_wait3A_108 = arith.constant 0 : i32
    %dma_wait3A_109 = arith.constant 0 : i32
    %dma_wait3A_110 = tpu.memref_slice %arg4[%dma_wait3A_108, %dma_wait3A_109] : memref<1000000x32xf32, #tpu.memory_space<hbm>> -> memref<1000000x32xf32, #tpu.memory_space<hbm>>
    tpu.wait_indirect_dma semaphore(%arg15 : memref<!tpu.dma_semaphore, #tpu.memory_space<semaphore_mem>>) src(%dma_wait3A_110 : memref<1000000x32xf32, #tpu.memory_space<hbm>>) dst(%dma_wait3A_104 : memref<128x32xf32, #tpu.memory_space<vmem>>)
    %dma_wait3A_111 = arith.constant 1 : i32
    %dma_wait3A_112 = arith.constant 128 : i32
    %dma_wait3A_113 = arith.constant 0 : i32
    %dma_wait3A_114 = tpu.memref_slice %arg11[%dma_wait3A_112, %dma_wait3A_113] : memref<512x32xf32, #tpu.memory_space<vmem>> -> memref<128x32xf32, #tpu.memory_space<vmem>>
    %dma_wait3A_115 = arith.constant 0 : i32
    %dma_wait3A_116 = tpu.memref_slice %arg9[%dma_wait3A_111, %dma_wait3A_115] : memref<4x128xi32, #tpu.memory_space<vmem>> -> memref<1x128xi32, #tpu.memory_space<vmem>>
    %dma_wait3A_117 = tpu.memref_squeeze %dma_wait3A_116 : memref<1x128xi32, #tpu.memory_space<vmem>> -> memref<128xi32, #tpu.memory_space<vmem>>
    %dma_wait3A_118 = arith.constant 0 : i32
    %dma_wait3A_119 = arith.constant 0 : i32
    %dma_wait3A_120 = tpu.memref_slice %arg5[%dma_wait3A_118, %dma_wait3A_119] : memref<100000x32xf32, #tpu.memory_space<hbm>> -> memref<100000x32xf32, #tpu.memory_space<hbm>>
    tpu.wait_indirect_dma semaphore(%arg16 : memref<!tpu.dma_semaphore, #tpu.memory_space<semaphore_mem>>) src(%dma_wait3A_120 : memref<100000x32xf32, #tpu.memory_space<hbm>>) dst(%dma_wait3A_114 : memref<128x32xf32, #tpu.memory_space<vmem>>)
    %dma_wait3A_121 = arith.constant 2 : i32
    %dma_wait3A_122 = arith.constant 256 : i32
    %dma_wait3A_123 = arith.constant 0 : i32
    %dma_wait3A_124 = tpu.memref_slice %arg10[%dma_wait3A_122, %dma_wait3A_123] : memref<512x32xf32, #tpu.memory_space<vmem>> -> memref<128x32xf32, #tpu.memory_space<vmem>>
    %dma_wait3A_125 = arith.constant 0 : i32
    %dma_wait3A_126 = tpu.memref_slice %arg8[%dma_wait3A_121, %dma_wait3A_125] : memref<4x128xi32, #tpu.memory_space<vmem>> -> memref<1x128xi32, #tpu.memory_space<vmem>>
    %dma_wait3A_127 = tpu.memref_squeeze %dma_wait3A_126 : memref<1x128xi32, #tpu.memory_space<vmem>> -> memref<128xi32, #tpu.memory_space<vmem>>
    %dma_wait3A_128 = arith.constant 0 : i32
    %dma_wait3A_129 = arith.constant 0 : i32
    %dma_wait3A_130 = tpu.memref_slice %arg4[%dma_wait3A_128, %dma_wait3A_129] : memref<1000000x32xf32, #tpu.memory_space<hbm>> -> memref<1000000x32xf32, #tpu.memory_space<hbm>>
    tpu.wait_indirect_dma semaphore(%arg15 : memref<!tpu.dma_semaphore, #tpu.memory_space<semaphore_mem>>) src(%dma_wait3A_130 : memref<1000000x32xf32, #tpu.memory_space<hbm>>) dst(%dma_wait3A_124 : memref<128x32xf32, #tpu.memory_space<vmem>>)
    %dma_wait3A_131 = arith.constant 2 : i32
    %dma_wait3A_132 = arith.constant 256 : i32
    %dma_wait3A_133 = arith.constant 0 : i32
    %dma_wait3A_134 = tpu.memref_slice %arg11[%dma_wait3A_132, %dma_wait3A_133] : memref<512x32xf32, #tpu.memory_space<vmem>> -> memref<128x32xf32, #tpu.memory_space<vmem>>
    %dma_wait3A_135 = arith.constant 0 : i32
    %dma_wait3A_136 = tpu.memref_slice %arg9[%dma_wait3A_131, %dma_wait3A_135] : memref<4x128xi32, #tpu.memory_space<vmem>> -> memref<1x128xi32, #tpu.memory_space<vmem>>
    %dma_wait3A_137 = tpu.memref_squeeze %dma_wait3A_136 : memref<1x128xi32, #tpu.memory_space<vmem>> -> memref<128xi32, #tpu.memory_space<vmem>>
    %dma_wait3A_138 = arith.constant 0 : i32
    %dma_wait3A_139 = arith.constant 0 : i32
    %dma_wait3A_140 = tpu.memref_slice %arg5[%dma_wait3A_138, %dma_wait3A_139] : memref<100000x32xf32, #tpu.memory_space<hbm>> -> memref<100000x32xf32, #tpu.memory_space<hbm>>
    tpu.wait_indirect_dma semaphore(%arg16 : memref<!tpu.dma_semaphore, #tpu.memory_space<semaphore_mem>>) src(%dma_wait3A_140 : memref<100000x32xf32, #tpu.memory_space<hbm>>) dst(%dma_wait3A_134 : memref<128x32xf32, #tpu.memory_space<vmem>>)
    %dma_wait3A_141 = arith.constant 3 : i32
    %dma_wait3A_142 = arith.constant 384 : i32
    %dma_wait3A_143 = arith.constant 0 : i32
    %dma_wait3A_144 = tpu.memref_slice %arg10[%dma_wait3A_142, %dma_wait3A_143] : memref<512x32xf32, #tpu.memory_space<vmem>> -> memref<128x32xf32, #tpu.memory_space<vmem>>
    %dma_wait3A_145 = arith.constant 0 : i32
    %dma_wait3A_146 = tpu.memref_slice %arg8[%dma_wait3A_141, %dma_wait3A_145] : memref<4x128xi32, #tpu.memory_space<vmem>> -> memref<1x128xi32, #tpu.memory_space<vmem>>
    %dma_wait3A_147 = tpu.memref_squeeze %dma_wait3A_146 : memref<1x128xi32, #tpu.memory_space<vmem>> -> memref<128xi32, #tpu.memory_space<vmem>>
    %dma_wait3A_148 = arith.constant 0 : i32
    %dma_wait3A_149 = arith.constant 0 : i32
    %dma_wait3A_150 = tpu.memref_slice %arg4[%dma_wait3A_148, %dma_wait3A_149] : memref<1000000x32xf32, #tpu.memory_space<hbm>> -> memref<1000000x32xf32, #tpu.memory_space<hbm>>
    tpu.wait_indirect_dma semaphore(%arg15 : memref<!tpu.dma_semaphore, #tpu.memory_space<semaphore_mem>>) src(%dma_wait3A_150 : memref<1000000x32xf32, #tpu.memory_space<hbm>>) dst(%dma_wait3A_144 : memref<128x32xf32, #tpu.memory_space<vmem>>)
    %dma_wait3A_151 = arith.constant 3 : i32
    %dma_wait3A_152 = arith.constant 384 : i32
    %dma_wait3A_153 = arith.constant 0 : i32
    %dma_wait3A_154 = tpu.memref_slice %arg11[%dma_wait3A_152, %dma_wait3A_153] : memref<512x32xf32, #tpu.memory_space<vmem>> -> memref<128x32xf32, #tpu.memory_space<vmem>>
    %dma_wait3A_155 = arith.constant 0 : i32
    %dma_wait3A_156 = tpu.memref_slice %arg9[%dma_wait3A_151, %dma_wait3A_155] : memref<4x128xi32, #tpu.memory_space<vmem>> -> memref<1x128xi32, #tpu.memory_space<vmem>>
    %dma_wait3A_157 = tpu.memref_squeeze %dma_wait3A_156 : memref<1x128xi32, #tpu.memory_space<vmem>> -> memref<128xi32, #tpu.memory_space<vmem>>
    %dma_wait3A_158 = arith.constant 0 : i32
    %dma_wait3A_159 = arith.constant 0 : i32
    %dma_wait3A_160 = tpu.memref_slice %arg5[%dma_wait3A_158, %dma_wait3A_159] : memref<100000x32xf32, #tpu.memory_space<hbm>> -> memref<100000x32xf32, #tpu.memory_space<hbm>>
    tpu.wait_indirect_dma semaphore(%arg16 : memref<!tpu.dma_semaphore, #tpu.memory_space<semaphore_mem>>) src(%dma_wait3A_160 : memref<100000x32xf32, #tpu.memory_space<hbm>>) dst(%dma_wait3A_154 : memref<128x32xf32, #tpu.memory_space<vmem>>)
    %get3A = arith.constant 0 : i32
    %get3A_161 = arith.index_cast %get3A : i32 to index
    %get3A_162 = arith.constant 0 : index
    %get3A_163 = tpu.vector_load %arg12[%get3A_161, %get3A_162] {strides = array<i32>} : memref<1x32xf32, #tpu.memory_space<vmem>>, vector<16xf32>,
    %get3A_164 = arith.constant 0 : i32
    %get3A_165 = arith.index_cast %get3A_164 : i32 to index
    %get3A_166 = arith.constant 16 : index
    %get3A_167 = tpu.vector_load %arg12[%get3A_165, %get3A_166] {strides = array<i32>} : memref<1x32xf32, #tpu.memory_space<vmem>>, vector<16xf32>,
    %iota3A = tpu.iota {dimensions = array<i32: 0>} : vector<16xi32>
    %mul3A_168 = arith.constant 513 : i32
    %mul3A_169 = vector.broadcast %mul3A_168 : i32 to vector<16xi32>
    %mul3A_170 = arith.muli %iota3A, %mul3A_169 : vector<16xi32>
    %scan3A = arith.constant 0 : i32
    %scan3A_171 = arith.constant 0 : i32
    %scan3A_172 = arith.constant 512 : i32
    %scan3A_173 = arith.addi %scan3A_171, %scan3A_172 : i32
    %scan3A_174 = arith.constant 8 : i32
    scf.for %scan3A_184 = %scan3A_171 to %scan3A_173 step %scan3A_174  : i32 {
      %get3A_185 = arith.index_cast %scan3A_184 : i32 to index
      %get3A_186 = arith.constant 0 : index
      %get3A_187 = tpu.vector_load %arg10[%get3A_185, %get3A_186] {strides = array<i32>} : memref<512x32xf32, #tpu.memory_space<vmem>>, vector<16xf32>,
      %get3A_188 = arith.index_cast %scan3A_184 : i32 to index
      %get3A_189 = arith.constant 16 : index
      %get3A_190 = tpu.vector_load %arg10[%get3A_188, %get3A_189] {strides = array<i32>} : memref<512x32xf32, #tpu.memory_space<vmem>>, vector<16xf32>,
      %get3A_191 = arith.index_cast %scan3A_184 : i32 to index
      %get3A_192 = arith.constant 0 : index
      %get3A_193 = tpu.vector_load %arg11[%get3A_191, %get3A_192] {strides = array<i32>} : memref<512x32xf32, #tpu.memory_space<vmem>>, vector<16xf32>,
      %get3A_194 = arith.index_cast %scan3A_184 : i32 to index
      %get3A_195 = arith.constant 16 : index
      %get3A_196 = tpu.vector_load %arg11[%get3A_194, %get3A_195] {strides = array<i32>} : memref<512x32xf32, #tpu.memory_space<vmem>>, vector<16xf32>,
      %mul3A_197 = arith.mulf %get3A_187, %get3A_193 : vector<16xf32>
      %mul3A_198 = arith.mulf %mul3A_197, %get3A_163 : vector<16xf32>
      %mul3A_199 = arith.mulf %get3A_190, %get3A_196 : vector<16xf32>
      %mul3A_200 = arith.mulf %mul3A_199, %get3A_167 : vector<16xf32>
      %add3A_201 = arith.addf %mul3A_198, %mul3A_200 : vector<16xf32>
      %add3A_202 = vector.broadcast %scan3A_184 : i32 to vector<16xi32>
      %add3A_203 = arith.addi %mul3A_170, %add3A_202 : vector<16xi32>
      tpu.vector_store_idx %arg13[%add3A_203], %add3A_201 : memref<8208xf32, #tpu.memory_space<vmem>>[vector<16xi32>], vector<16xf32>,
      %scan3A_204 = arith.constant 1 : i32
      %scan3A_205 = arith.addi %scan3A_184, %scan3A_204 : i32
      %get3A_206 = arith.index_cast %scan3A_205 : i32 to index
      %get3A_207 = arith.constant 0 : index
      %get3A_208 = tpu.vector_load %arg10[%get3A_206, %get3A_207] {strides = array<i32>} : memref<512x32xf32, #tpu.memory_space<vmem>>, vector<16xf32>,
      %get3A_209 = arith.index_cast %scan3A_205 : i32 to index
      %get3A_210 = arith.constant 16 : index
      %get3A_211 = tpu.vector_load %arg10[%get3A_209, %get3A_210] {strides = array<i32>} : memref<512x32xf32, #tpu.memory_space<vmem>>, vector<16xf32>,
      %get3A_212 = arith.index_cast %scan3A_205 : i32 to index
      %get3A_213 = arith.constant 0 : index
      %get3A_214 = tpu.vector_load %arg11[%get3A_212, %get3A_213] {strides = array<i32>} : memref<512x32xf32, #tpu.memory_space<vmem>>, vector<16xf32>,
      %get3A_215 = arith.index_cast %scan3A_205 : i32 to index
      %get3A_216 = arith.constant 16 : index
      %get3A_217 = tpu.vector_load %arg11[%get3A_215, %get3A_216] {strides = array<i32>} : memref<512x32xf32, #tpu.memory_space<vmem>>, vector<16xf32>,
      %mul3A_218 = arith.mulf %get3A_208, %get3A_214 : vector<16xf32>
      %mul3A_219 = arith.mulf %mul3A_218, %get3A_163 : vector<16xf32>
      %mul3A_220 = arith.mulf %get3A_211, %get3A_217 : vector<16xf32>
      %mul3A_221 = arith.mulf %mul3A_220, %get3A_167 : vector<16xf32>
      %add3A_222 = arith.addf %mul3A_219, %mul3A_221 : vector<16xf32>
      %add3A_223 = vector.broadcast %scan3A_205 : i32 to vector<16xi32>
      %add3A_224 = arith.addi %mul3A_170, %add3A_223 : vector<16xi32>
      tpu.vector_store_idx %arg13[%add3A_224], %add3A_222 : memref<8208xf32, #tpu.memory_space<vmem>>[vector<16xi32>], vector<16xf32>,
      %scan3A_225 = arith.constant 2 : i32
      %scan3A_226 = arith.addi %scan3A_184, %scan3A_225 : i32
      %get3A_227 = arith.index_cast %scan3A_226 : i32 to index
      %get3A_228 = arith.constant 0 : index
      %get3A_229 = tpu.vector_load %arg10[%get3A_227, %get3A_228] {strides = array<i32>} : memref<512x32xf32, #tpu.memory_space<vmem>>, vector<16xf32>,
      %get3A_230 = arith.index_cast %scan3A_226 : i32 to index
      %get3A_231 = arith.constant 16 : index
      %get3A_232 = tpu.vector_load %arg10[%get3A_230, %get3A_231] {strides = array<i32>} : memref<512x32xf32, #tpu.memory_space<vmem>>, vector<16xf32>,
      %get3A_233 = arith.index_cast %scan3A_226 : i32 to index
      %get3A_234 = arith.constant 0 : index
      %get3A_235 = tpu.vector_load %arg11[%get3A_233, %get3A_234] {strides = array<i32>} : memref<512x32xf32, #tpu.memory_space<vmem>>, vector<16xf32>,
      %get3A_236 = arith.index_cast %scan3A_226 : i32 to index
      %get3A_237 = arith.constant 16 : index
      %get3A_238 = tpu.vector_load %arg11[%get3A_236, %get3A_237] {strides = array<i32>} : memref<512x32xf32, #tpu.memory_space<vmem>>, vector<16xf32>,
      %mul3A_239 = arith.mulf %get3A_229, %get3A_235 : vector<16xf32>
      %mul3A_240 = arith.mulf %mul3A_239, %get3A_163 : vector<16xf32>
      %mul3A_241 = arith.mulf %get3A_232, %get3A_238 : vector<16xf32>
      %mul3A_242 = arith.mulf %mul3A_241, %get3A_167 : vector<16xf32>
      %add3A_243 = arith.addf %mul3A_240, %mul3A_242 : vector<16xf32>
      %add3A_244 = vector.broadcast %scan3A_226 : i32 to vector<16xi32>
      %add3A_245 = arith.addi %mul3A_170, %add3A_244 : vector<16xi32>
      tpu.vector_store_idx %arg13[%add3A_245], %add3A_243 : memref<8208xf32, #tpu.memory_space<vmem>>[vector<16xi32>], vector<16xf32>,
      %scan3A_246 = arith.constant 3 : i32
      %scan3A_247 = arith.addi %scan3A_184, %scan3A_246 : i32
      %get3A_248 = arith.index_cast %scan3A_247 : i32 to index
      %get3A_249 = arith.constant 0 : index
      %get3A_250 = tpu.vector_load %arg10[%get3A_248, %get3A_249] {strides = array<i32>} : memref<512x32xf32, #tpu.memory_space<vmem>>, vector<16xf32>,
      %get3A_251 = arith.index_cast %scan3A_247 : i32 to index
      %get3A_252 = arith.constant 16 : index
      %get3A_253 = tpu.vector_load %arg10[%get3A_251, %get3A_252] {strides = array<i32>} : memref<512x32xf32, #tpu.memory_space<vmem>>, vector<16xf32>,
      %get3A_254 = arith.index_cast %scan3A_247 : i32 to index
      %get3A_255 = arith.constant 0 : index
      %get3A_256 = tpu.vector_load %arg11[%get3A_254, %get3A_255] {strides = array<i32>} : memref<512x32xf32, #tpu.memory_space<vmem>>, vector<16xf32>,
      %get3A_257 = arith.index_cast %scan3A_247 : i32 to index
      %get3A_258 = arith.constant 16 : index
      %get3A_259 = tpu.vector_load %arg11[%get3A_257, %get3A_258] {strides = array<i32>} : memref<512x32xf32, #tpu.memory_space<vmem>>, vector<16xf32>,
      %mul3A_260 = arith.mulf %get3A_250, %get3A_256 : vector<16xf32>
      %mul3A_261 = arith.mulf %mul3A_260, %get3A_163 : vector<16xf32>
      %mul3A_262 = arith.mulf %get3A_253, %get3A_259 : vector<16xf32>
      %mul3A_263 = arith.mulf %mul3A_262, %get3A_167 : vector<16xf32>
      %add3A_264 = arith.addf %mul3A_261, %mul3A_263 : vector<16xf32>
      %add3A_265 = vector.broadcast %scan3A_247 : i32 to vector<16xi32>
      %add3A_266 = arith.addi %mul3A_170, %add3A_265 : vector<16xi32>
      tpu.vector_store_idx %arg13[%add3A_266], %add3A_264 : memref<8208xf32, #tpu.memory_space<vmem>>[vector<16xi32>], vector<16xf32>,
      %scan3A_267 = arith.constant 4 : i32
      %scan3A_268 = arith.addi %scan3A_184, %scan3A_267 : i32
      %get3A_269 = arith.index_cast %scan3A_268 : i32 to index
      %get3A_270 = arith.constant 0 : index
      %get3A_271 = tpu.vector_load %arg10[%get3A_269, %get3A_270] {strides = array<i32>} : memref<512x32xf32, #tpu.memory_space<vmem>>, vector<16xf32>,
      %get3A_272 = arith.index_cast %scan3A_268 : i32 to index
      %get3A_273 = arith.constant 16 : index
      %get3A_274 = tpu.vector_load %arg10[%get3A_272, %get3A_273] {strides = array<i32>} : memref<512x32xf32, #tpu.memory_space<vmem>>, vector<16xf32>,
      %get3A_275 = arith.index_cast %scan3A_268 : i32 to index
      %get3A_276 = arith.constant 0 : index
      %get3A_277 = tpu.vector_load %arg11[%get3A_275, %get3A_276] {strides = array<i32>} : memref<512x32xf32, #tpu.memory_space<vmem>>, vector<16xf32>,
      %get3A_278 = arith.index_cast %scan3A_268 : i32 to index
      %get3A_279 = arith.constant 16 : index
      %get3A_280 = tpu.vector_load %arg11[%get3A_278, %get3A_279] {strides = array<i32>} : memref<512x32xf32, #tpu.memory_space<vmem>>, vector<16xf32>,
      %mul3A_281 = arith.mulf %get3A_271, %get3A_277 : vector<16xf32>
      %mul3A_282 = arith.mulf %mul3A_281, %get3A_163 : vector<16xf32>
      %mul3A_283 = arith.mulf %get3A_274, %get3A_280 : vector<16xf32>
      %mul3A_284 = arith.mulf %mul3A_283, %get3A_167 : vector<16xf32>
      %add3A_285 = arith.addf %mul3A_282, %mul3A_284 : vector<16xf32>
      %add3A_286 = vector.broadcast %scan3A_268 : i32 to vector<16xi32>
      %add3A_287 = arith.addi %mul3A_170, %add3A_286 : vector<16xi32>
      tpu.vector_store_idx %arg13[%add3A_287], %add3A_285 : memref<8208xf32, #tpu.memory_space<vmem>>[vector<16xi32>], vector<16xf32>,
      %scan3A_288 = arith.constant 5 : i32
      %scan3A_289 = arith.addi %scan3A_184, %scan3A_288 : i32
      %get3A_290 = arith.index_cast %scan3A_289 : i32 to index
      %get3A_291 = arith.constant 0 : index
      %get3A_292 = tpu.vector_load %arg10[%get3A_290, %get3A_291] {strides = array<i32>} : memref<512x32xf32, #tpu.memory_space<vmem>>, vector<16xf32>,
      %get3A_293 = arith.index_cast %scan3A_289 : i32 to index
      %get3A_294 = arith.constant 16 : index
      %get3A_295 = tpu.vector_load %arg10[%get3A_293, %get3A_294] {strides = array<i32>} : memref<512x32xf32, #tpu.memory_space<vmem>>, vector<16xf32>,
      %get3A_296 = arith.index_cast %scan3A_289 : i32 to index
      %get3A_297 = arith.constant 0 : index
      %get3A_298 = tpu.vector_load %arg11[%get3A_296, %get3A_297] {strides = array<i32>} : memref<512x32xf32, #tpu.memory_space<vmem>>, vector<16xf32>,
      %get3A_299 = arith.index_cast %scan3A_289 : i32 to index
      %get3A_300 = arith.constant 16 : index
      %get3A_301 = tpu.vector_load %arg11[%get3A_299, %get3A_300] {strides = array<i32>} : memref<512x32xf32, #tpu.memory_space<vmem>>, vector<16xf32>,
      %mul3A_302 = arith.mulf %get3A_292, %get3A_298 : vector<16xf32>
      %mul3A_303 = arith.mulf %mul3A_302, %get3A_163 : vector<16xf32>
      %mul3A_304 = arith.mulf %get3A_295, %get3A_301 : vector<16xf32>
      %mul3A_305 = arith.mulf %mul3A_304, %get3A_167 : vector<16xf32>
      %add3A_306 = arith.addf %mul3A_303, %mul3A_305 : vector<16xf32>
      %add3A_307 = vector.broadcast %scan3A_289 : i32 to vector<16xi32>
      %add3A_308 = arith.addi %mul3A_170, %add3A_307 : vector<16xi32>
      tpu.vector_store_idx %arg13[%add3A_308], %add3A_306 : memref<8208xf32, #tpu.memory_space<vmem>>[vector<16xi32>], vector<16xf32>,
      %scan3A_309 = arith.constant 6 : i32
      %scan3A_310 = arith.addi %scan3A_184, %scan3A_309 : i32
      %get3A_311 = arith.index_cast %scan3A_310 : i32 to index
      %get3A_312 = arith.constant 0 : index
      %get3A_313 = tpu.vector_load %arg10[%get3A_311, %get3A_312] {strides = array<i32>} : memref<512x32xf32, #tpu.memory_space<vmem>>, vector<16xf32>,
      %get3A_314 = arith.index_cast %scan3A_310 : i32 to index
      %get3A_315 = arith.constant 16 : index
      %get3A_316 = tpu.vector_load %arg10[%get3A_314, %get3A_315] {strides = array<i32>} : memref<512x32xf32, #tpu.memory_space<vmem>>, vector<16xf32>,
      %get3A_317 = arith.index_cast %scan3A_310 : i32 to index
      %get3A_318 = arith.constant 0 : index
      %get3A_319 = tpu.vector_load %arg11[%get3A_317, %get3A_318] {strides = array<i32>} : memref<512x32xf32, #tpu.memory_space<vmem>>, vector<16xf32>,
      %get3A_320 = arith.index_cast %scan3A_310 : i32 to index
      %get3A_321 = arith.constant 16 : index
      %get3A_322 = tpu.vector_load %arg11[%get3A_320, %get3A_321] {strides = array<i32>} : memref<512x32xf32, #tpu.memory_space<vmem>>, vector<16xf32>,
      %mul3A_323 = arith.mulf %get3A_313, %get3A_319 : vector<16xf32>
      %mul3A_324 = arith.mulf %mul3A_323, %get3A_163 : vector<16xf32>
      %mul3A_325 = arith.mulf %get3A_316, %get3A_322 : vector<16xf32>
      %mul3A_326 = arith.mulf %mul3A_325, %get3A_167 : vector<16xf32>
      %add3A_327 = arith.addf %mul3A_324, %mul3A_326 : vector<16xf32>
      %add3A_328 = vector.broadcast %scan3A_310 : i32 to vector<16xi32>
      %add3A_329 = arith.addi %mul3A_170, %add3A_328 : vector<16xi32>
      tpu.vector_store_idx %arg13[%add3A_329], %add3A_327 : memref<8208xf32, #tpu.memory_space<vmem>>[vector<16xi32>], vector<16xf32>,
      %scan3A_330 = arith.constant 7 : i32
      %scan3A_331 = arith.addi %scan3A_184, %scan3A_330 : i32
      %get3A_332 = arith.index_cast %scan3A_331 : i32 to index
      %get3A_333 = arith.constant 0 : index
      %get3A_334 = tpu.vector_load %arg10[%get3A_332, %get3A_333] {strides = array<i32>} : memref<512x32xf32, #tpu.memory_space<vmem>>, vector<16xf32>,
      %get3A_335 = arith.index_cast %scan3A_331 : i32 to index
      %get3A_336 = arith.constant 16 : index
      %get3A_337 = tpu.vector_load %arg10[%get3A_335, %get3A_336] {strides = array<i32>} : memref<512x32xf32, #tpu.memory_space<vmem>>, vector<16xf32>,
      %get3A_338 = arith.index_cast %scan3A_331 : i32 to index
      %get3A_339 = arith.constant 0 : index
      %get3A_340 = tpu.vector_load %arg11[%get3A_338, %get3A_339] {strides = array<i32>} : memref<512x32xf32, #tpu.memory_space<vmem>>, vector<16xf32>,
      %get3A_341 = arith.index_cast %scan3A_331 : i32 to index
      %get3A_342 = arith.constant 16 : index
      %get3A_343 = tpu.vector_load %arg11[%get3A_341, %get3A_342] {strides = array<i32>} : memref<512x32xf32, #tpu.memory_space<vmem>>, vector<16xf32>,
      %mul3A_344 = arith.mulf %get3A_334, %get3A_340 : vector<16xf32>
      %mul3A_345 = arith.mulf %mul3A_344, %get3A_163 : vector<16xf32>
      %mul3A_346 = arith.mulf %get3A_337, %get3A_343 : vector<16xf32>
      %mul3A_347 = arith.mulf %mul3A_346, %get3A_167 : vector<16xf32>
      %add3A_348 = arith.addf %mul3A_345, %mul3A_347 : vector<16xf32>
      %add3A_349 = vector.broadcast %scan3A_331 : i32 to vector<16xi32>
      %add3A_350 = arith.addi %mul3A_170, %add3A_349 : vector<16xi32>
      tpu.vector_store_idx %arg13[%add3A_350], %add3A_348 : memref<8208xf32, #tpu.memory_space<vmem>>[vector<16xi32>], vector<16xf32>,
    }
    %scan3A_175 = arith.constant 512 : i32
    %scan3A_176 = arith.constant 0 : i32
    %scan3A_177 = arith.constant 0 : i32
    %scan3A_178 = arith.constant 32 : i32
    %scan3A_179 = arith.addi %scan3A_177, %scan3A_178 : i32
    %scan3A_180 = arith.constant 2 : i32
    scf.for %scan3A_184 = %scan3A_177 to %scan3A_179 step %scan3A_180  : i32 {
      %mul3A_185 = arith.constant 16 : i32
      %mul3A_186 = arith.muli %scan3A_184, %mul3A_185 : i32
      %get3A_187 = arith.index_cast %mul3A_186 : i32 to index
      %get3A_188 = tpu.vector_load %arg13[%get3A_187] {strides = array<i32>} : memref<8208xf32, #tpu.memory_space<vmem>>, vector<16xf32>,
      %mul3A_189 = arith.constant 16 : i32
      %mul3A_190 = arith.muli %scan3A_184, %mul3A_189 : i32
      %add3A_191 = arith.constant 513 : i32
      %add3A_192 = arith.addi %add3A_191, %mul3A_190 : i32
      %get3A_193 = arith.index_cast %add3A_192 : i32 to index
      %get3A_194 = tpu.vector_load %arg13[%get3A_193] {strides = array<i32>} : memref<8208xf32, #tpu.memory_space<vmem>>, vector<16xf32>,
      %add3A_195 = arith.addf %get3A_188, %get3A_194 : vector<16xf32>
      %mul3A_196 = arith.constant 16 : i32
      %mul3A_197 = arith.muli %scan3A_184, %mul3A_196 : i32
      %add3A_198 = arith.constant 1026 : i32
      %add3A_199 = arith.addi %add3A_198, %mul3A_197 : i32
      %get3A_200 = arith.index_cast %add3A_199 : i32 to index
      %get3A_201 = tpu.vector_load %arg13[%get3A_200] {strides = array<i32>} : memref<8208xf32, #tpu.memory_space<vmem>>, vector<16xf32>,
      %add3A_202 = arith.addf %add3A_195, %get3A_201 : vector<16xf32>
      %mul3A_203 = arith.constant 16 : i32
      %mul3A_204 = arith.muli %scan3A_184, %mul3A_203 : i32
      %add3A_205 = arith.constant 1539 : i32
      %add3A_206 = arith.addi %add3A_205, %mul3A_204 : i32
      %get3A_207 = arith.index_cast %add3A_206 : i32 to index
      %get3A_208 = tpu.vector_load %arg13[%get3A_207] {strides = array<i32>} : memref<8208xf32, #tpu.memory_space<vmem>>, vector<16xf32>,
      %add3A_209 = arith.addf %add3A_202, %get3A_208 : vector<16xf32>
      %mul3A_210 = arith.constant 16 : i32
      %mul3A_211 = arith.muli %scan3A_184, %mul3A_210 : i32
      %add3A_212 = arith.constant 2052 : i32
      %add3A_213 = arith.addi %add3A_212, %mul3A_211 : i32
      %get3A_214 = arith.index_cast %add3A_213 : i32 to index
      %get3A_215 = tpu.vector_load %arg13[%get3A_214] {strides = array<i32>} : memref<8208xf32, #tpu.memory_space<vmem>>, vector<16xf32>,
      %add3A_216 = arith.addf %add3A_209, %get3A_215 : vector<16xf32>
      %mul3A_217 = arith.constant 16 : i32
      %mul3A_218 = arith.muli %scan3A_184, %mul3A_217 : i32
      %add3A_219 = arith.constant 2565 : i32
      %add3A_220 = arith.addi %add3A_219, %mul3A_218 : i32
      %get3A_221 = arith.index_cast %add3A_220 : i32 to index
      %get3A_222 = tpu.vector_load %arg13[%get3A_221] {strides = array<i32>} : memref<8208xf32, #tpu.memory_space<vmem>>, vector<16xf32>,
      %add3A_223 = arith.addf %add3A_216, %get3A_222 : vector<16xf32>
      %mul3A_224 = arith.constant 16 : i32
      %mul3A_225 = arith.muli %scan3A_184, %mul3A_224 : i32
      %add3A_226 = arith.constant 3078 : i32
      %add3A_227 = arith.addi %add3A_226, %mul3A_225 : i32
      %get3A_228 = arith.index_cast %add3A_227 : i32 to index
      %get3A_229 = tpu.vector_load %arg13[%get3A_228] {strides = array<i32>} : memref<8208xf32, #tpu.memory_space<vmem>>, vector<16xf32>,
      %add3A_230 = arith.addf %add3A_223, %get3A_229 : vector<16xf32>
      %mul3A_231 = arith.constant 16 : i32
      %mul3A_232 = arith.muli %scan3A_184, %mul3A_231 : i32
      %add3A_233 = arith.constant 3591 : i32
      %add3A_234 = arith.addi %add3A_233, %mul3A_232 : i32
      %get3A_235 = arith.index_cast %add3A_234 : i32 to index
      %get3A_236 = tpu.vector_load %arg13[%get3A_235] {strides = array<i32>} : memref<8208xf32, #tpu.memory_space<vmem>>, vector<16xf32>,
      %add3A_237 = arith.addf %add3A_230, %get3A_236 : vector<16xf32>
      %mul3A_238 = arith.constant 16 : i32
      %mul3A_239 = arith.muli %scan3A_184, %mul3A_238 : i32
      %add3A_240 = arith.constant 4104 : i32
      %add3A_241 = arith.addi %add3A_240, %mul3A_239 : i32
      %get3A_242 = arith.index_cast %add3A_241 : i32 to index
      %get3A_243 = tpu.vector_load %arg13[%get3A_242] {strides = array<i32>} : memref<8208xf32, #tpu.memory_space<vmem>>, vector<16xf32>,
      %add3A_244 = arith.addf %add3A_237, %get3A_243 : vector<16xf32>
      %mul3A_245 = arith.constant 16 : i32
      %mul3A_246 = arith.muli %scan3A_184, %mul3A_245 : i32
      %add3A_247 = arith.constant 4617 : i32
      %add3A_248 = arith.addi %add3A_247, %mul3A_246 : i32
      %get3A_249 = arith.index_cast %add3A_248 : i32 to index
      %get3A_250 = tpu.vector_load %arg13[%get3A_249] {strides = array<i32>} : memref<8208xf32, #tpu.memory_space<vmem>>, vector<16xf32>,
      %add3A_251 = arith.addf %add3A_244, %get3A_250 : vector<16xf32>
      %mul3A_252 = arith.constant 16 : i32
      %mul3A_253 = arith.muli %scan3A_184, %mul3A_252 : i32
      %add3A_254 = arith.constant 5130 : i32
      %add3A_255 = arith.addi %add3A_254, %mul3A_253 : i32
      %get3A_256 = arith.index_cast %add3A_255 : i32 to index
      %get3A_257 = tpu.vector_load %arg13[%get3A_256] {strides = array<i32>} : memref<8208xf32, #tpu.memory_space<vmem>>, vector<16xf32>,
      %add3A_258 = arith.addf %add3A_251, %get3A_257 : vector<16xf32>
      %mul3A_259 = arith.constant 16 : i32
      %mul3A_260 = arith.muli %scan3A_184, %mul3A_259 : i32
      %add3A_261 = arith.constant 5643 : i32
      %add3A_262 = arith.addi %add3A_261, %mul3A_260 : i32
      %get3A_263 = arith.index_cast %add3A_262 : i32 to index
      %get3A_264 = tpu.vector_load %arg13[%get3A_263] {strides = array<i32>} : memref<8208xf32, #tpu.memory_space<vmem>>, vector<16xf32>,
      %add3A_265 = arith.addf %add3A_258, %get3A_264 : vector<16xf32>
      %mul3A_266 = arith.constant 16 : i32
      %mul3A_267 = arith.muli %scan3A_184, %mul3A_266 : i32
      %add3A_268 = arith.constant 6156 : i32
      %add3A_269 = arith.addi %add3A_268, %mul3A_267 : i32
      %get3A_270 = arith.index_cast %add3A_269 : i32 to index
      %get3A_271 = tpu.vector_load %arg13[%get3A_270] {strides = array<i32>} : memref<8208xf32, #tpu.memory_space<vmem>>, vector<16xf32>,
      %add3A_272 = arith.addf %add3A_265, %get3A_271 : vector<16xf32>
      %mul3A_273 = arith.constant 16 : i32
      %mul3A_274 = arith.muli %scan3A_184, %mul3A_273 : i32
      %add3A_275 = arith.constant 6669 : i32
      %add3A_276 = arith.addi %add3A_275, %mul3A_274 : i32
      %get3A_277 = arith.index_cast %add3A_276 : i32 to index
      %get3A_278 = tpu.vector_load %arg13[%get3A_277] {strides = array<i32>} : memref<8208xf32, #tpu.memory_space<vmem>>, vector<16xf32>,
      %add3A_279 = arith.addf %add3A_272, %get3A_278 : vector<16xf32>
      %mul3A_280 = arith.constant 16 : i32
      %mul3A_281 = arith.muli %scan3A_184, %mul3A_280 : i32
      %add3A_282 = arith.constant 7182 : i32
      %add3A_283 = arith.addi %add3A_282, %mul3A_281 : i32
      %get3A_284 = arith.index_cast %add3A_283 : i32 to index
      %get3A_285 = tpu.vector_load %arg13[%get3A_284] {strides = array<i32>} : memref<8208xf32, #tpu.memory_space<vmem>>, vector<16xf32>,
      %add3A_286 = arith.addf %add3A_279, %get3A_285 : vector<16xf32>
      %mul3A_287 = arith.constant 16 : i32
      %mul3A_288 = arith.muli %scan3A_184, %mul3A_287 : i32
      %add3A_289 = arith.constant 7695 : i32
      %add3A_290 = arith.addi %add3A_289, %mul3A_288 : i32
      %get3A_291 = arith.index_cast %add3A_290 : i32 to index
      %get3A_292 = tpu.vector_load %arg13[%get3A_291] {strides = array<i32>} : memref<8208xf32, #tpu.memory_space<vmem>>, vector<16xf32>,
      %add3A_293 = arith.addf %add3A_286, %get3A_292 : vector<16xf32>
      %neg3A = arith.constant 0.000000e+00 : f32
      %neg3A_294 = vector.broadcast %neg3A : f32 to vector<16xf32>
      %neg3A_295 = arith.subf %neg3A_294, %add3A_293 : vector<16xf32>
      %exp3A = math.exp %neg3A_295 : vector<16xf32>
      %add3A_296 = arith.constant 1.000000e+00 : f32
      %add3A_297 = vector.broadcast %add3A_296 : f32 to vector<16xf32>
      %add3A_298 = arith.addf %add3A_297, %exp3A : vector<16xf32>
      %div3A = arith.constant 1.000000e+00 : f32
      %div3A_299 = vector.broadcast %div3A : f32 to vector<16xf32>
      %div3A_300 = arith.divf %div3A_299, %add3A_298 : vector<16xf32>
      %mul3A_301 = arith.constant 16 : i32
      %mul3A_302 = arith.muli %scan3A_184, %mul3A_301 : i32
      %swap3A = arith.index_cast %mul3A_302 : i32 to index
      %swap3A_303 = tpu.vector_load %arg14[%swap3A] {strides = array<i32>} : memref<512xf32, #tpu.memory_space<vmem>>, vector<16xf32>,
      tpu.vector_store %arg14[%swap3A], %div3A_300 {strides = array<i32>} : memref<512xf32, #tpu.memory_space<vmem>>, vector<16xf32>,
      %scan3A_304 = arith.constant 1 : i32
      %scan3A_305 = arith.addi %scan3A_184, %scan3A_304 : i32
      %mul3A_306 = arith.constant 16 : i32
      %mul3A_307 = arith.muli %scan3A_305, %mul3A_306 : i32
      %get3A_308 = arith.index_cast %mul3A_307 : i32 to index
      %get3A_309 = tpu.vector_load %arg13[%get3A_308] {strides = array<i32>} : memref<8208xf32, #tpu.memory_space<vmem>>, vector<16xf32>,
      %mul3A_310 = arith.constant 16 : i32
      %mul3A_311 = arith.muli %scan3A_305, %mul3A_310 : i32
      %add3A_312 = arith.constant 513 : i32
      %add3A_313 = arith.addi %add3A_312, %mul3A_311 : i32
      %get3A_314 = arith.index_cast %add3A_313 : i32 to index
      %get3A_315 = tpu.vector_load %arg13[%get3A_314] {strides = array<i32>} : memref<8208xf32, #tpu.memory_space<vmem>>, vector<16xf32>,
      %add3A_316 = arith.addf %get3A_309, %get3A_315 : vector<16xf32>
      %mul3A_317 = arith.constant 16 : i32
      %mul3A_318 = arith.muli %scan3A_305, %mul3A_317 : i32
      %add3A_319 = arith.constant 1026 : i32
      %add3A_320 = arith.addi %add3A_319, %mul3A_318 : i32
      %get3A_321 = arith.index_cast %add3A_320 : i32 to index
      %get3A_322 = tpu.vector_load %arg13[%get3A_321] {strides = array<i32>} : memref<8208xf32, #tpu.memory_space<vmem>>, vector<16xf32>,
      %add3A_323 = arith.addf %add3A_316, %get3A_322 : vector<16xf32>
      %mul3A_324 = arith.constant 16 : i32
      %mul3A_325 = arith.muli %scan3A_305, %mul3A_324 : i32
      %add3A_326 = arith.constant 1539 : i32
      %add3A_327 = arith.addi %add3A_326, %mul3A_325 : i32
      %get3A_328 = arith.index_cast %add3A_327 : i32 to index
      %get3A_329 = tpu.vector_load %arg13[%get3A_328] {strides = array<i32>} : memref<8208xf32, #tpu.memory_space<vmem>>, vector<16xf32>,
      %add3A_330 = arith.addf %add3A_323, %get3A_329 : vector<16xf32>
      %mul3A_331 = arith.constant 16 : i32
      %mul3A_332 = arith.muli %scan3A_305, %mul3A_331 : i32
      %add3A_333 = arith.constant 2052 : i32
      %add3A_334 = arith.addi %add3A_333, %mul3A_332 : i32
      %get3A_335 = arith.index_cast %add3A_334 : i32 to index
      %get3A_336 = tpu.vector_load %arg13[%get3A_335] {strides = array<i32>} : memref<8208xf32, #tpu.memory_space<vmem>>, vector<16xf32>,
      %add3A_337 = arith.addf %add3A_330, %get3A_336 : vector<16xf32>
      %mul3A_338 = arith.constant 16 : i32
      %mul3A_339 = arith.muli %scan3A_305, %mul3A_338 : i32
      %add3A_340 = arith.constant 2565 : i32
      %add3A_341 = arith.addi %add3A_340, %mul3A_339 : i32
      %get3A_342 = arith.index_cast %add3A_341 : i32 to index
      %get3A_343 = tpu.vector_load %arg13[%get3A_342] {strides = array<i32>} : memref<8208xf32, #tpu.memory_space<vmem>>, vector<16xf32>,
      %add3A_344 = arith.addf %add3A_337, %get3A_343 : vector<16xf32>
      %mul3A_345 = arith.constant 16 : i32
      %mul3A_346 = arith.muli %scan3A_305, %mul3A_345 : i32
      %add3A_347 = arith.constant 3078 : i32
      %add3A_348 = arith.addi %add3A_347, %mul3A_346 : i32
      %get3A_349 = arith.index_cast %add3A_348 : i32 to index
      %get3A_350 = tpu.vector_load %arg13[%get3A_349] {strides = array<i32>} : memref<8208xf32, #tpu.memory_space<vmem>>, vector<16xf32>,
      %add3A_351 = arith.addf %add3A_344, %get3A_350 : vector<16xf32>
      %mul3A_352 = arith.constant 16 : i32
      %mul3A_353 = arith.muli %scan3A_305, %mul3A_352 : i32
      %add3A_354 = arith.constant 3591 : i32
      %add3A_355 = arith.addi %add3A_354, %mul3A_353 : i32
      %get3A_356 = arith.index_cast %add3A_355 : i32 to index
      %get3A_357 = tpu.vector_load %arg13[%get3A_356] {strides = array<i32>} : memref<8208xf32, #tpu.memory_space<vmem>>, vector<16xf32>,
      %add3A_358 = arith.addf %add3A_351, %get3A_357 : vector<16xf32>
      %mul3A_359 = arith.constant 16 : i32
      %mul3A_360 = arith.muli %scan3A_305, %mul3A_359 : i32
      %add3A_361 = arith.constant 4104 : i32
      %add3A_362 = arith.addi %add3A_361, %mul3A_360 : i32
      %get3A_363 = arith.index_cast %add3A_362 : i32 to index
      %get3A_364 = tpu.vector_load %arg13[%get3A_363] {strides = array<i32>} : memref<8208xf32, #tpu.memory_space<vmem>>, vector<16xf32>,
      %add3A_365 = arith.addf %add3A_358, %get3A_364 : vector<16xf32>
      %mul3A_366 = arith.constant 16 : i32
      %mul3A_367 = arith.muli %scan3A_305, %mul3A_366 : i32
      %add3A_368 = arith.constant 4617 : i32
      %add3A_369 = arith.addi %add3A_368, %mul3A_367 : i32
      %get3A_370 = arith.index_cast %add3A_369 : i32 to index
      %get3A_371 = tpu.vector_load %arg13[%get3A_370] {strides = array<i32>} : memref<8208xf32, #tpu.memory_space<vmem>>, vector<16xf32>,
      %add3A_372 = arith.addf %add3A_365, %get3A_371 : vector<16xf32>
      %mul3A_373 = arith.constant 16 : i32
      %mul3A_374 = arith.muli %scan3A_305, %mul3A_373 : i32
      %add3A_375 = arith.constant 5130 : i32
      %add3A_376 = arith.addi %add3A_375, %mul3A_374 : i32
      %get3A_377 = arith.index_cast %add3A_376 : i32 to index
      %get3A_378 = tpu.vector_load %arg13[%get3A_377] {strides = array<i32>} : memref<8208xf32, #tpu.memory_space<vmem>>, vector<16xf32>,
      %add3A_379 = arith.addf %add3A_372, %get3A_378 : vector<16xf32>
      %mul3A_380 = arith.constant 16 : i32
      %mul3A_381 = arith.muli %scan3A_305, %mul3A_380 : i32
      %add3A_382 = arith.constant 5643 : i32
      %add3A_383 = arith.addi %add3A_382, %mul3A_381 : i32
      %get3A_384 = arith.index_cast %add3A_383 : i32 to index
      %get3A_385 = tpu.vector_load %arg13[%get3A_384] {strides = array<i32>} : memref<8208xf32, #tpu.memory_space<vmem>>, vector<16xf32>,
      %add3A_386 = arith.addf %add3A_379, %get3A_385 : vector<16xf32>
      %mul3A_387 = arith.constant 16 : i32
      %mul3A_388 = arith.muli %scan3A_305, %mul3A_387 : i32
      %add3A_389 = arith.constant 6156 : i32
      %add3A_390 = arith.addi %add3A_389, %mul3A_388 : i32
      %get3A_391 = arith.index_cast %add3A_390 : i32 to index
      %get3A_392 = tpu.vector_load %arg13[%get3A_391] {strides = array<i32>} : memref<8208xf32, #tpu.memory_space<vmem>>, vector<16xf32>,
      %add3A_393 = arith.addf %add3A_386, %get3A_392 : vector<16xf32>
      %mul3A_394 = arith.constant 16 : i32
      %mul3A_395 = arith.muli %scan3A_305, %mul3A_394 : i32
      %add3A_396 = arith.constant 6669 : i32
      %add3A_397 = arith.addi %add3A_396, %mul3A_395 : i32
      %get3A_398 = arith.index_cast %add3A_397 : i32 to index
      %get3A_399 = tpu.vector_load %arg13[%get3A_398] {strides = array<i32>} : memref<8208xf32, #tpu.memory_space<vmem>>, vector<16xf32>,
      %add3A_400 = arith.addf %add3A_393, %get3A_399 : vector<16xf32>
      %mul3A_401 = arith.constant 16 : i32
      %mul3A_402 = arith.muli %scan3A_305, %mul3A_401 : i32
      %add3A_403 = arith.constant 7182 : i32
      %add3A_404 = arith.addi %add3A_403, %mul3A_402 : i32
      %get3A_405 = arith.index_cast %add3A_404 : i32 to index
      %get3A_406 = tpu.vector_load %arg13[%get3A_405] {strides = array<i32>} : memref<8208xf32, #tpu.memory_space<vmem>>, vector<16xf32>,
      %add3A_407 = arith.addf %add3A_400, %get3A_406 : vector<16xf32>
      %mul3A_408 = arith.constant 16 : i32
      %mul3A_409 = arith.muli %scan3A_305, %mul3A_408 : i32
      %add3A_410 = arith.constant 7695 : i32
      %add3A_411 = arith.addi %add3A_410, %mul3A_409 : i32
      %get3A_412 = arith.index_cast %add3A_411 : i32 to index
      %get3A_413 = tpu.vector_load %arg13[%get3A_412] {strides = array<i32>} : memref<8208xf32, #tpu.memory_space<vmem>>, vector<16xf32>,
      %add3A_414 = arith.addf %add3A_407, %get3A_413 : vector<16xf32>
      %neg3A_415 = arith.constant 0.000000e+00 : f32
      %neg3A_416 = vector.broadcast %neg3A_415 : f32 to vector<16xf32>
      %neg3A_417 = arith.subf %neg3A_416, %add3A_414 : vector<16xf32>
      %exp3A_418 = math.exp %neg3A_417 : vector<16xf32>
      %add3A_419 = arith.constant 1.000000e+00 : f32
      %add3A_420 = vector.broadcast %add3A_419 : f32 to vector<16xf32>
      %add3A_421 = arith.addf %add3A_420, %exp3A_418 : vector<16xf32>
      %div3A_422 = arith.constant 1.000000e+00 : f32
      %div3A_423 = vector.broadcast %div3A_422 : f32 to vector<16xf32>
      %div3A_424 = arith.divf %div3A_423, %add3A_421 : vector<16xf32>
      %mul3A_425 = arith.constant 16 : i32
      %mul3A_426 = arith.muli %scan3A_305, %mul3A_425 : i32
      %swap3A_427 = arith.index_cast %mul3A_426 : i32 to index
      %swap3A_428 = tpu.vector_load %arg14[%swap3A_427] {strides = array<i32>} : memref<512xf32, #tpu.memory_space<vmem>>, vector<16xf32>,
      tpu.vector_store %arg14[%swap3A_427], %div3A_424 {strides = array<i32>} : memref<512xf32, #tpu.memory_space<vmem>>, vector<16xf32>,
    }
    %scan3A_181 = arith.constant 32 : i32
    %mul3A_182 = arith.constant 512 : i32
    %mul3A_183 = arith.muli %add3A, %mul3A_182 : i32
    "tpu.region"() ({
      %run_scoped3A = tpu.sem_alloc : memref<!tpu.dma_semaphore, #tpu.memory_space<semaphore_mem>>
      %dma_start3A_184 = tpu.memref_slice %arg7[%mul3A_183] : memref<16384xf32, #tpu.memory_space<hbm>> -> memref<512xf32, #tpu.memory_space<hbm>>
      %dma_start3A_185 = tpu.memref_slice %arg7[%mul3A_183] : memref<16384xf32, #tpu.memory_space<hbm>> -> memref<512xf32, #tpu.memory_space<hbm>>
      tpu.enqueue_dma source(%arg14 : memref<512xf32, #tpu.memory_space<vmem>>) target(%dma_start3A_185 : memref<512xf32, #tpu.memory_space<hbm>>) target_semaphore(%run_scoped3A : memref<!tpu.dma_semaphore, #tpu.memory_space<semaphore_mem>>)
      %dma_wait3A_186 = tpu.memref_slice %arg7[%mul3A_183] : memref<16384xf32, #tpu.memory_space<hbm>> -> memref<512xf32, #tpu.memory_space<hbm>>
      %dma_wait3A_187 = tpu.memref_slice %arg7[%mul3A_183] : memref<16384xf32, #tpu.memory_space<hbm>> -> memref<512xf32, #tpu.memory_space<hbm>>
      tpu.wait_dma2 semaphore(%run_scoped3A : memref<!tpu.dma_semaphore, #tpu.memory_space<semaphore_mem>>) src(%arg14 : memref<512xf32, #tpu.memory_space<vmem>>) dst(%dma_wait3A_187 : memref<512xf32, #tpu.memory_space<hbm>>)
      tpu.yield
    }) : () -> ()
    return
  }
}

</mosaic_0001>

<sc_bundles>
// kernel: kernel.3.cloned.1.call-start
scs
__scs_entry_jumppad:
0x0: {  	(pc) =	sbr.rel $0x88, $3  }
0x1: {  	(tag) =	ssettag $0x0;
	lr =	simm.s32 $0x1  }
0x2: {  	[smem:$0x3F9C] =	sst lr;
	_ =	strace $0xD0000000  }
0x3: {  	_ = 	snop  }
0x4: {  	_ = 	snop  }
0x5: {  	_ = 	snop  }
0x6: {  	_ = 	snop  }
0x7: {  	_ = 	snop  }
__scs_overlays_trampoline_lowered:
0x8: {  	[smem:$0x3FAB] =	sst s0  }
0x9: {  	[smem:$0x3FAC] =	sst s1  }
0xa: {  	[smem:$0x3FAD] =	sst s2  }
0xb: {  	[smem:$0x3FAE] =	sst s3  }
0xc: {  	[smem:$0x3FAF] =	sst s4  }
0xd: {  	[smem:$0x3FB0] =	sst s5  }
0xe: {  	[smem:$0x3FB1] =	sst s6  }
0xf: {  	[smem:$0x3FB2] =	sst s7  }
0x10: {  	[smem:$0x3FB3] =	sst s8  }
0x11: {  	[smem:$0x3FB4] =	sst s9;
	s0 =	simm.s32 @!p0 $0x0  }
0x12: {  	s1 =	sld [smem:$0x3F9A];
	s0 =	simm.s32 @p0 $0x1  }
0x13: {  	[smem:$0x3FB5] =	sst s0;
	s0 =	simm.s32 @!p1 $0x0  }
0x14: {  	s2 =	sld [smem:$0x3F99];
	s0 =	simm.s32 @p1 $0x1  }
0x15: {  	[smem:$0x3FB6] =	sst s0;
	s0 =	simm.s32 @!p2 $0x0  }
0x16: {  	s3 =	sld [smem:$0x3FDB];
	s0 =	simm.s32 @p2 $0x1  }
0x17: {  	s4 =	simm.s32 $0x1BF5;
	[smem:$0x3FB8] =	sst s0  }
0x18: {  	s0 =	sld [smem:$0x3F9B];
	_ =	swait.ge [sflag:s4], $0x0  }
0x19: {  	s7 =	sld [smem:$0x3F9C]  }
0x1a: {  	s8 =	sadd.s32 $0xFFFFE003, lr  }
0x1b: {  	s9 =	sadd.s32 $0xFFFFFEF7, lr;
	s5 =	simm.s32 $0xFFFFFFFF;
	p2 =	slt.u32 s8, $0xFFFFF086  }
0x1c: {  	p1 =	slt.u32 s9, $0xF7A;
	s5 =	simm.s32 @!p2 $0x0  }
0x1d: {  	s5 =	simm.s32 @p1 $0x1;
	p0 =	seq.s32 s7, s2  }
0x1e: {  	s7 =	smul.u32 @!p0 $0xF7A, s2;
	p2 =	seq.s32 @!p0 s5, $0x0  }
0x1f: {  	s9 =	smul.u32 $0xF7A, s1;
	s8 =	simm.s32 @!p0 $0x1BF5;
	p2 =	por !p2, p0  }
0x20: {  	[sflag:s8] =	ssyncset.s32 @!p0 $0xFFFFF086;
	s6 =	sadd.s32 @!p0 s3, s7;
	s7 =	simm.s32 @!p0 $0x108  }
0x21: {  	s3 =	sadd.s32 s3, s9;
	s6 =	sadd.s32 @!p0 $0x88, s6;
	s7 =	simm.s32 @p2 $0x1082  }
0x22: {  	[simem:s7], [sflag:s8] =	dma.local @!p0 [hbm:s6], $0xF7A  }
0x23: {  	s9 =	sor.u32 $0xD0000000, s2;
	s6 =	simm.s32 $0x108;
	_ =	swait.ge @!p0 [sflag:s8], $0x0  }
0x24: {  	s3 =	sadd.s32 $0x88, s3;
	s6 =	simm.s32 @!p1 $0x1082;
	[sflag:s4] =	ssyncset.s32 $0xFFFFF086  }
0x25: {  	[simem:s6], [sflag:s4] =	dma.local [hbm:s3], $0xF7A  }
0x26: {  	[smem:$0x3F9C] =	sst s1;
	(tag) =	ssettag s2;
	_ =	strace s9  }
0x27: {  	s1 =	sld [smem:$0x3FAC]  }
0x28: {  	s2 =	sld [smem:$0x3FAD]  }
0x29: {  	s4 =	sld [smem:$0x3FAF]  }
0x2a: {  	p0 =	seq.s32 s5, $0x0;
	s5 =	sld [smem:$0x3FB0]  }
0x2b: {  	s6 =	sld [smem:$0x3FB1]  }
0x2c: {  	s7 =	sld [smem:$0x3FB2]  }
0x2d: {  	s3 =	simm.s32 $0x108;
	s8 =	sld [smem:$0x3FB3]  }
0x2e: {  	s3 =	simm.s32 @!p0 $0x1082;
	s9 =	sld [smem:$0x3FB4]  }
0x2f: {  	lr =	sadd.s32 s0, s3;
	s0 =	sld [smem:$0x3FAB]  }
0x30: {  	s3 =	sld [smem:$0x3FAE]  }
0x31: {  	[smem:$0x3FB7] =	sst s10  }
0x32: {  	s10 =	sld [smem:$0x3FB5];
	_ =	sdelay $0x3  }
0x33: {  	p0 =	seq.s32 s10, $0x1;
	s10 =	sld [smem:$0x3FB7];
	_ =	sdelay $0x3  }
0x34: {  	[smem:$0x3FB7] =	sst s10  }
0x35: {  	s10 =	sld [smem:$0x3FB6];
	_ =	sdelay $0x3  }
0x36: {  	p1 =	seq.s32 s10, $0x1;
	s10 =	sld [smem:$0x3FB7];
	_ =	sdelay $0x3  }
0x37: {  	[smem:$0x3FB7] =	sst s10  }
0x38: {  	s10 =	sld [smem:$0x3FB8]  }
0x39: {  	_ = 	snop;
	(pc) =	sbr.ind lr, $3  }
0x3a: {  	_ = 	snop  }
0x3b: {  	_ = 	snop  }
0x3c: {  	p2 =	seq.s32 s10, $0x1;
	s10 =	sld [smem:$0x3FB7]  }
0x3d: {  	_ =	shalt  }
0x3e: {  	_ =	shalt  }
0x3f: {  	_ =	shalt  }
0x40: {  	_ =	shalt  }
0x41: {  	_ =	shalt  }
0x42: {  	_ =	shalt  }
0x43: {  	_ =	shalt  }
0x44: {  	_ =	shalt  }
0x45: {  	_ =	shalt  }
0x46: {  	_ =	shalt  }
0x47: {  	_ =	shalt  }
0x48: {  	_ =	shalt  }
0x49: {  	_ =	shalt  }
0x4a: {  	_ =	shalt  }
0x4b: {  	_ =	shalt  }
0x4c: {  	_ =	shalt  }
0x4d: {  	_ =	shalt  }
0x4e: {  	_ =	shalt  }
0x4f: {  	_ =	shalt  }
0x50: {  	_ =	shalt  }
0x51: {  	_ =	shalt  }
0x52: {  	_ =	shalt  }
0x53: {  	_ =	shalt  }
0x54: {  	_ =	shalt  }
0x55: {  	_ =	shalt  }
0x56: {  	_ =	shalt  }
0x57: {  	_ =	shalt  }
0x58: {  	_ =	shalt  }
0x59: {  	_ =	shalt  }
0x5a: {  	_ =	shalt  }
0x5b: {  	_ =	shalt  }
0x5c: {  	_ =	shalt  }
0x5d: {  	_ =	shalt  }
0x5e: {  	_ =	shalt  }
0x5f: {  	_ =	shalt  }
0x60: {  	_ =	shalt  }
0x61: {  	_ =	shalt  }
0x62: {  	_ =	shalt  }
0x63: {  	_ =	shalt  }
0x64: {  	_ =	shalt  }
0x65: {  	_ =	shalt  }
0x66: {  	_ =	shalt  }
0x67: {  	_ =	shalt  }
0x68: {  	_ =	shalt  }
0x69: {  	_ =	shalt  }
0x6a: {  	_ =	shalt  }
0x6b: {  	_ =	shalt  }
0x6c: {  	_ =	shalt  }
0x6d: {  	_ =	shalt  }
0x6e: {  	_ =	shalt  }
0x6f: {  	_ =	shalt  }
0x70: {  	_ =	shalt  }
0x71: {  	_ =	shalt  }
0x72: {  	_ =	shalt  }
0x73: {  	_ =	shalt  }
0x74: {  	_ =	shalt  }
0x75: {  	_ =	shalt  }
0x76: {  	_ =	shalt  }
0x77: {  	_ =	shalt  }
0x78: {  	_ =	shalt  }
0x79: {  	_ =	shalt  }
0x7a: {  	_ =	shalt  }
0x7b: {  	_ =	shalt  }
0x7c: {  	_ =	shalt  }
0x7d: {  	_ =	shalt  }
0x7e: {  	_ =	shalt  }
0x7f: {  	_ =	shalt  }
0x80: {  	_ =	shalt  }
0x81: {  	_ =	shalt  }
0x82: {  	_ =	shalt  }
0x83: {  	_ =	shalt  }
0x84: {  	_ =	shalt  }
0x85: {  	_ =	shalt  }
0x86: {  	_ =	shalt  }
0x87: {  	_ =	shalt  }
.Lfunc_end0:
.L_simem_size_0:
called_computation_lowered:
.L_overlay_start_0:
0x88: {  	s2 =	sld [smem:$0x3FD9]  }
0x89: {  	s3 =	sld [smem:$0x3FFE];
	_ =	sdelay $0x1  }
0x8a: {  	s1 =	srdreg.scid  }
0x8b: {  	s0 =	sand.u32 $0x1, s1  }
0x8c: {  	s17 =	sshll.u32 s0, $0xA;
	s2 =	sadd.s32 s3, s2  }
0x8d: {  	s2 =	sadd.s32 s2, s17  }
0x8e: {  	[smem:$0x3FC3] =	sst s2  }
0x8f: {  	_ = 	snop  }
0x90: {  	s2 =	sld [smem:$0x3FC9]  }
0x91: {  	s18 =	sld [smem:$0x3FC8]  }
0x92: {  	s4 =	sld [smem:$0x3FC5]  }
0x93: {  	s5 =	sld [smem:$0x3FD0];
	(tm) =	ssettm $0x1  }
0x94: {  	s6 =	sld [smem:$0x3FFB];
	_ =	sdelay $0x3  }
0x95: {  	_ =	strace s6  }
0x96: {  	s6 =	sld [smem:$0x3FFC];
	_ =	sdelay $0x3  }
0x97: {  	_ =	strace s6  }
0x98: {  	s6 =	sld [smem:$0x3FFD];
	_ =	sdelay $0x3  }
0x99: {  	_ =	strace s6  }
0x9a: {  	_ =	strace $0x8FFFFFFF  }
0x9b: {  	s19 =	sld [smem:$0x3FDB];
	_ =	sdelay $0x1  }
0x9c: {  	s7 =	simm.s32 $_scs_section_size  }
0x9d: {  	s8 =	simm.s32 $_size__tile_overlayer_lowered;
	s9 =	simm.s32 $_tile_overlayer_lowered  }
0x9e: {  	s22 =	simm.s32 $0x1BFF;
	s21 =	sshll.u32 s9, $0x1;
	s6 =	sadd.s32 s7, s19  }
0x9f: {  	s10 =	simm.s32 $0x0;
	s20 =	sshll.u32 s8, $0x1;
	s8 =	sadd.s32 s21, s6  }
0xa0: {  	[timem:s10], [sflag:s22] =	dma.local [hbm:s8], s20  }
0xa1: {  	_ =	swait.ge [sflag:s22], s20  }
0xa2: {  	s7 =	ssub.s32 $0x0, s20;
	[sflag:s22] =	ssyncset.done $0x0  }
0xa3: {  	[sflag:s22] =	ssyncadd.s32 s7;
	_ =	sdelay $0x1  }
0xa4: {  	s23 =	simm.s32 $0x1B8B  }
0xa5: {  	_ =	swait.ge [sflag:s23], $0x1  }
0xa6: {  	[sflag:s23] =	ssyncset.done $0x0  }
0xa7: {  	s25 =	simm.s32 $0x1B8E;
	s24 =	sld [smem:$0x3FFE];
	[sflag:s23] =	ssyncadd.s32 $0xFFFFFFFF  }
0xa8: {  	s26 =	simm.s32 $execute0_lowered;
	[smem:$0x3FD2] =	sst s25  }
0xa9: {  	s8 =	sshll.u32 s26, $0x1;
	_ =	strace $0x80000046;
	[dreg:$0x1] =	wrdreg $0xFFFFFFFF  }
0xaa: {  	s28 =	simm.s32 $_size_execute0_lowered;
	s6 =	sadd.s32 s6, s8;
	[dreg:$0x0] =	wrdreg $0x0  }
0xab: {  	s8 =	sshll.u32 s28, $0x1;
	[dreg:$0x2] =	wrdreg s6  }
0xac: {  	[dreg:$0x3] =	wrdreg s8  }
0xad: {  	[dreg:$0x4] =	wrdreg $0xC0  }
0xae: {  	_ =	task [dreg:s10], $0x5FFFF  }
0xaf: {  	[dreg:$0x1] =	wrdreg $0xFFFFFFFF  }
0xb0: {  	[dreg:$0x0] =	wrdreg $0x60  }
0xb1: {  	[dreg:$0x2] =	wrdreg s2  }
0xb2: {  	[dreg:$0x3] =	wrdreg s18  }
0xb3: {  	[dreg:$0x4] =	wrdreg s24  }
0xb4: {  	[dreg:$0x5] =	wrdreg s4  }
0xb5: {  	[dreg:$0x6] =	wrdreg s5  }
0xb6: {  	[dreg:$0x7] =	wrdreg $0x9  }
0xb7: {  	_ =	task.clear_ibuf [dreg:s10], $0x8FFFF;
	_ =	strace $0x90000046  }
0xb8: {  	s29 =	simm.s32 $0x9;
	_ =	strace $0x80000048  }
0xb9: {  	_ =	swait.ge [sflag:s29], $0x1  }
0xba: {  	[sflag:s29] =	ssyncadd.s32 $0xFFFFFFFF  }
0xbb: {  	_ =	strace $0x90000048  }
0xbc: {  	_ =	sfence  }
0xbd: {  	s30 =	sld [smem:$0x0];
	_ =	sdelay $0x2  }
0xbe: {  	s31 =	sshll.u32 s1, $0xD;
	s1 =	sshrl.u32 s1, $0x2  }
0xbf: {  	s3 =	sand.u32 $0x4000, s31;
	s1 =	sadd.s32 s1, s30  }
0xc0: {  	s0 =	sor.u32 s3, s0;
	s1 =	sshll.u32 s1, $0x11  }
0xc1: {  	s0 =	sor.u32 s1, s0  }
0xc2: {  	s0 =	sadd.s32 $0x8F2B, s0  }
0xc3: {  	[sflag:s0] =	ssyncadd.remote.s32 $0x1  }
0xc4: {  	_ =	sfence.sel $0xFFFF  }
0xc5: {  	[dreg:$0x0] =	wrdreg $0xFFFFFFFF;
	(pc) =	sbr.abs _section_cstart, $3  }
0xc6: {  	[dreg:$0x1] =	wrdreg $0xFFFFFFFF  }
0xc7: {  	_ =	task.clear_ibuf [dreg:s10], $0x2FFFF;
	_ =	strace $0x9FFFFFFF  }
0xc8: {  	(tm) =	ssettm $0x7FFFFFFF  }
0xc9: {  	_ =	shalt  }
tec
execute0_lowered:
.L_overlay_start_1:
0x0: {  	(tag) =	ssettag $0x1  }
0x1: {  	s0 =	rddreg [dreg:$0x0]  }
0x2: {  	s1 =	rddreg [dreg:$0x1]  }
0x3: {  	s3 =	rddreg [dreg:$0x2]  }
0x4: {  	s8 =	rddreg [dreg:$0x4];
	s2 =	simm.s32 $0x0;
	s5 =	srdreg.scid  }
0x5: {  	s7 =	stileid.u32;
	s10 =	simm.s32 $0x3;
	s11 =	simm.s32 $0x200  }
0x6: {  	s13 =	simm.s32 $0x80;
	s21 =	simm.s32 $0x300;
	s22 =	simm.s32 $0x6400  }
0x7: {  	s23 =	simm.s32 $0x180;
	s24 =	simm.s32 $0x3400;
	s25 =	simm.s32 $0x380  }
0x8: {  	s28 =	simm.s32 $0x1;
	s29 =	simm.s32 $0x2;
	s30 =	simm.s32 $0x8420  }
0x9: {  	s31 =	simm.s32 $0xA430;
	[smem:$0x7FF] =	sst s2;
	s5 =	sand.u32 $0x1, s5  }
0xa: {  	s4 =	sadd.s32 $0x62000, s3;
	s7 =	sshll.u32 s7, $0x7;
	s6 =	ssub.s32 $0x2, s5  }
0xb: {  	_ =	strace $0x80000047;
	s9 =	sshll.u32 s5, $0x6;
	s26 =	sshrl.u32 s6, $0x1  }
0xc: {  	s5 =	sadd.s32 $0x400, s3;
	s9 =	sor.u32 s9, s7;
	s3 =	ssub.s32 s6, s26  }
0xd: {  	v1 =	vlaneseq.u32;
	s6 =	sadd.s32 s0, s9;
	s7 =	sadd.s32 s1, s9;
	s8 =	sadd.s32 s8, s9  }
0xe: {  	v0 =	vmul.u32 $0x201, v1;
	v1 =	vand.u32 $0x7, v1;
	s26 =	simm.s32 $0x7400;
	s0 =	simm.s32 $0x0;
	s9 =	smax.u32 s3, $0x1  }
.LBB2_1:
0xf: {  	[tilespmem:s2], [sflag:$0x3] =	stream.linear.gather [hbm4b:s6+s2], $0x200, $0x38;
	[tilespmem:$0xA630] =	vst v63  }
0x10: {  	_ =	swait.ge [sflag:s10], $0x200  }
0x11: {  	[sflag:s10] =	ssyncset.done $0x0  }
0x12: {  	[sflag:s10] =	ssyncadd.s32 $0xFFFFFE00  }
0x13: {  	[tilespmem:s11], [sflag:$0x3] =	stream.linear.gather [hbm4b:s7+s2], $0x200, $0x38;
	[tilespmem:$0xA630] =	vst v63  }
0x14: {  	_ =	swait.ge [sflag:s10], $0x200  }
0x15: {  	[sflag:s10] =	ssyncset.done $0x0  }
0x16: {  	[sflag:s10] =	ssyncadd.s32 $0xFFFFFE00  }
0x17: {  	s3 =	simm.s32 $0x8400;
	s1 =	rddreg [dreg:$0x3]  }
0x18: {  	[tilespmem:s3], [sflag:$0x3] =	stream.linear.gather [hbm4b:s1+s2], $0x20, $0x38;
	[tilespmem:$0xA630] =	vst v63  }
0x19: {  	_ =	swait.ge [sflag:s10], $0x20  }
0x1a: {  	[sflag:s10] =	ssyncset.done $0x0  }
0x1b: {  	s18 =	simm.s32 $0x400;
	[sflag:s10] =	ssyncadd.s32 $0xFFFFFFE0  }
0x1c: {  	[tilespmem:s18], [sflag:$0x1] =	stream.indirect.gather [hbm4b:s4+s13], $0x20, s2, s13, $0xb8;
	[tilespmem:$0xA630] =	vst v63  }
0x1d: {  	s19 =	simm.s32 $0x4400  }
0x1e: {  	[tilespmem:s19], [sflag:$0x2] =	stream.indirect.gather [hbm4b:s5+s13], $0x20, s11, s13, $0xb8;
	[tilespmem:$0xA630] =	vst v63  }
0x1f: {  	s20 =	simm.s32 $0x1400  }
0x20: {  	[tilespmem:s20], [sflag:$0x1] =	stream.indirect.gather [hbm4b:s4+s13], $0x20, s13, s13, $0xb8;
	[tilespmem:$0xA630] =	vst v63  }
0x21: {  	s12 =	simm.s32 $0x5400;
	s3 =	simm.s32 $0x280  }
0x22: {  	[tilespmem:s12], [sflag:$0x2] =	stream.indirect.gather [hbm4b:s5+s13], $0x20, s3, s13, $0xb8;
	[tilespmem:$0xA630] =	vst v63  }
0x23: {  	s14 =	simm.s32 $0x100;
	s15 =	simm.s32 $0x2400  }
0x24: {  	[tilespmem:s15], [sflag:$0x1] =	stream.indirect.gather [hbm4b:s4+s13], $0x20, s14, s13, $0xb8;
	[tilespmem:$0xA630] =	vst v63  }
0x25: {  	_ = 	snop  }
0x26: {  	[tilespmem:s22], [sflag:$0x2] =	stream.indirect.gather [hbm4b:s5+s13], $0x20, s21, s13, $0xb8;
	[tilespmem:$0xA630] =	vst v63  }
0x27: {  	_ = 	snop  }
0x28: {  	[tilespmem:s24], [sflag:$0x1] =	stream.indirect.gather [hbm4b:s4+s13], $0x20, s23, s13, $0xb8;
	[tilespmem:$0xA630] =	vst v63  }
0x29: {  	_ = 	snop  }
0x2a: {  	[tilespmem:s26], [sflag:$0x2] =	stream.indirect.gather [hbm4b:s5+s13], $0x20, s25, s13, $0xb8;
	[tilespmem:$0xA630] =	vst v63  }
0x2b: {  	_ =	swait.ge [sflag:s28], $0x1000  }
0x2c: {  	[sflag:s28] =	ssyncset.done $0x0  }
0x2d: {  	[sflag:s28] =	ssyncadd.s32 $0xFFFFF000  }
0x2e: {  	_ =	swait.ge [sflag:s29], $0x1000  }
0x2f: {  	[sflag:s29] =	ssyncset.done $0x0  }
0x30: {  	[sflag:s29] =	ssyncadd.s32 $0xFFFFF000  }
0x31: {  	_ =	swait.ge [sflag:s28], $0x1000  }
0x32: {  	[sflag:s28] =	ssyncset.done $0x0  }
0x33: {  	[sflag:s28] =	ssyncadd.s32 $0xFFFFF000  }
0x34: {  	_ =	swait.ge [sflag:s29], $0x1000  }
0x35: {  	[sflag:s29] =	ssyncset.done $0x0  }
0x36: {  	[sflag:s29] =	ssyncadd.s32 $0xFFFFF000  }
0x37: {  	_ =	swait.ge [sflag:s28], $0x1000  }
0x38: {  	[sflag:s28] =	ssyncset.done $0x0  }
0x39: {  	[sflag:s28] =	ssyncadd.s32 $0xFFFFF000  }
0x3a: {  	_ =	swait.ge [sflag:s29], $0x1000  }
0x3b: {  	[sflag:s29] =	ssyncset.done $0x0  }
0x3c: {  	[sflag:s29] =	ssyncadd.s32 $0xFFFFF000  }
0x3d: {  	_ =	swait.ge [sflag:s28], $0x1000  }
0x3e: {  	[sflag:s28] =	ssyncset.done $0x0  }
0x3f: {  	[sflag:s28] =	ssyncadd.s32 $0xFFFFF000  }
0x40: {  	_ =	swait.ge [sflag:s29], $0x1000  }
0x41: {  	[sflag:s29] =	ssyncset.done $0x0  }
0x42: {  	s12 =	simm.s32 $0x480;
	[sflag:s29] =	ssyncadd.s32 $0xFFFFF000  }
0x43: {  	s14 =	simm.s32 $0x4480;
	v4 =	vld [tilespmem:s12+$0xFFFFFF80]  }
0x44: {  	v5 =	vld [tilespmem:s14+$0xFFFFFF90]  }
0x45: {  	v6 =	vld [tilespmem:s14+$0xFFFFFF80]  }
0x46: {  	v7 =	vld [tilespmem:s12+$0xFFFFFF90]  }
0x47: {  	v2 =	vld [tilespmem:$0x8400]  }
0x48: {  	v3 =	vld [tilespmem:$0x8410];
	_ =	sdelay $0x1  }
0x49: {  	v8 =	vadd.s32 s2, v0  }
0x4a: {  	v4 =	vmul.f32 v6, v4;
	v5 =	vmul.f32 v5, v7;
	v6 =	vand.u32 $0x3FF8, v8  }
0x4b: {  	v6 =	vor.u32 v1, v6  }
0x4c: {  	v4 =	vmul.f32 v4, v2;
	v5 =	vmul.f32 v5, v3;
	_ =	sdelay $0x1  }
0x4d: {  	v4 =	vadd.f32 v5, v4;
	_ =	sdelay $0x1  }
0x4e: {  	[tilespmem:v6+s30+$0x0] =	vst.idx.msk $0xffff, v4  }
0x4f: {  	v4 =	vld [tilespmem:s14+$0xFFFFFFB0]  }
0x50: {  	v5 =	vld [tilespmem:s14+$0xFFFFFFA0]  }
0x51: {  	v6 =	vld [tilespmem:s12+$0xFFFFFFA0]  }
0x52: {  	v7 =	vld [tilespmem:s12+$0xFFFFFFB0];
	_ =	sdelay $0x4  }
0x53: {  	s16 =	simm.s32 $0x1;
	v5 =	vmul.f32 v5, v6;
	v4 =	vmul.f32 v4, v7  }
0x54: {  	v6 =	vadd.s32 s16, v0  }
0x55: {  	v5 =	vmul.f32 v5, v2;
	v4 =	vmul.f32 v4, v3;
	_ =	sdelay $0x1  }
0x56: {  	v4 =	vadd.f32 v4, v5;
	_ =	sdelay $0x1  }
0x57: {  	[tilespmem:v6+s30+$0x0] =	vst.idx.msk $0xffff, v4  }
0x58: {  	v4 =	vld [tilespmem:s12+$0xFFFFFFC0]  }
0x59: {  	v5 =	vld [tilespmem:s12+$0xFFFFFFD0]  }
0x5a: {  	v6 =	vld [tilespmem:s14+$0xFFFFFFD0]  }
0x5b: {  	v7 =	vld [tilespmem:s14+$0xFFFFFFC0];
	_ =	sdelay $0x4  }
0x5c: {  	s17 =	simm.s32 $0x2;
	v5 =	vmul.f32 v6, v5;
	v4 =	vmul.f32 v7, v4  }
0x5d: {  	v6 =	vadd.s32 s17, v0  }
0x5e: {  	v4 =	vmul.f32 v4, v2;
	v5 =	vmul.f32 v5, v3;
	_ =	sdelay $0x1  }
0x5f: {  	v4 =	vadd.f32 v5, v4;
	_ =	sdelay $0x1  }
0x60: {  	[tilespmem:v6+s30+$0x0] =	vst.idx.msk $0xffff, v4  }
0x61: {  	v4 =	vld [tilespmem:s14+$0xFFFFFFF0]  }
0x62: {  	v5 =	vld [tilespmem:s12+$0xFFFFFFF0]  }
0x63: {  	v6 =	vld [tilespmem:s12+$0xFFFFFFE0]  }
0x64: {  	v7 =	vld [tilespmem:s14+$0xFFFFFFE0];
	_ =	sdelay $0x4  }
0x65: {  	s18 =	simm.s32 $0x3;
	v4 =	vmul.f32 v4, v5;
	v5 =	vmul.f32 v7, v6  }
0x66: {  	v6 =	vadd.s32 s18, v0  }
0x67: {  	v4 =	vmul.f32 v4, v3;
	v5 =	vmul.f32 v5, v2;
	_ =	sdelay $0x1  }
0x68: {  	v4 =	vadd.f32 v4, v5;
	_ =	sdelay $0x1  }
0x69: {  	[tilespmem:v6+s30+$0x0] =	vst.idx.msk $0xffff, v4  }
0x6a: {  	v4 =	vld [tilespmem:s14+$0x10]  }
0x6b: {  	v5 =	vld [tilespmem:s14+$0x0]  }
0x6c: {  	v6 =	vld [tilespmem:s12+$0x10]  }
0x6d: {  	v7 =	vld [tilespmem:s12+$0x0];
	_ =	sdelay $0x4  }
0x6e: {  	s19 =	simm.s32 $0x4;
	v4 =	vmul.f32 v4, v6;
	v5 =	vmul.f32 v5, v7  }
0x6f: {  	v6 =	vadd.s32 s19, v0  }
0x70: {  	v5 =	vmul.f32 v5, v2;
	v4 =	vmul.f32 v4, v3;
	_ =	sdelay $0x1  }
0x71: {  	v4 =	vadd.f32 v4, v5;
	_ =	sdelay $0x1  }
0x72: {  	[tilespmem:v6+s30+$0x0] =	vst.idx.msk $0xffff, v4  }
0x73: {  	v4 =	vld [tilespmem:s12+$0x30]  }
0x74: {  	v5 =	vld [tilespmem:s12+$0x20]  }
0x75: {  	v6 =	vld [tilespmem:s14+$0x30]  }
0x76: {  	v7 =	vld [tilespmem:s14+$0x20];
	_ =	sdelay $0x4  }
0x77: {  	s20 =	simm.s32 $0x5;
	v4 =	vmul.f32 v6, v4;
	v5 =	vmul.f32 v7, v5  }
0x78: {  	v6 =	vadd.s32 s20, v0  }
0x79: {  	v5 =	vmul.f32 v5, v2;
	v4 =	vmul.f32 v4, v3;
	_ =	sdelay $0x1  }
0x7a: {  	v4 =	vadd.f32 v4, v5;
	_ =	sdelay $0x1  }
0x7b: {  	[tilespmem:v6+s30+$0x0] =	vst.idx.msk $0xffff, v4  }
0x7c: {  	v4 =	vld [tilespmem:s14+$0x50]  }
0x7d: {  	v7 =	vld [tilespmem:s12+$0x50]  }
0x7e: {  	v5 =	vld [tilespmem:s12+$0x40]  }
0x7f: {  	v6 =	vld [tilespmem:s14+$0x40];
	_ =	sdelay $0x2  }
0x80: {  	s1 =	simm.s32 $0xA440;
	s3 =	simm.s32 $0x9428;
	s15 =	simm.s32 $0x0  }
0x81: {  	s16 =	simm.s32 $0x480;
	s17 =	simm.s32 $0x4480;
	s18 =	simm.s32 $0x8;
	v4 =	vmul.f32 v4, v7  }
.LBB2_2:
0x82: {  	v5 =	vmul.f32 v6, v5;
	s19 =	sadd.s32 $0x6, s15;
	s14 =	sadd.s32 $0x100, s14;
	s12 =	sadd.s32 $0x100, s12  }
0x83: {  	p0 =	slt.u32 s18, $0x1F8;
	v6 =	vadd.s32 s19, v0;
	s19 =	smov.u32 s18;
	s18 =	sadd.s32 $0x8, s18  }
0x84: {  	v4 =	vmul.f32 v4, v3;
	v5 =	vmul.f32 v5, v2;
	_ =	sdelay $0x1  }
0x85: {  	v4 =	vadd.f32 v4, v5;
	_ =	sdelay $0x1  }
0x86: {  	[tilespmem:v6+s30+$0x0] =	vst.idx.msk $0xffff, v4  }
0x87: {  	v4 =	vld [tilespmem:s17+$0x70]  }
0x88: {  	v5 =	vld [tilespmem:s17+$0x60];
	s17 =	smov.u32 s14  }
0x89: {  	v6 =	vld [tilespmem:s16+$0x70]  }
0x8a: {  	v7 =	vld [tilespmem:s16+$0x60];
	s16 =	smov.u32 s12;
	_ =	sdelay $0x3  }
0x8b: {  	s20 =	sadd.s32 $0x7, s15;
	s15 =	smov.u32 s19;
	v4 =	vmul.f32 v4, v6  }
0x8c: {  	v6 =	vadd.s32 s20, v0;
	v5 =	vmul.f32 v5, v7  }
0x8d: {  	v4 =	vmul.f32 v4, v3  }
0x8e: {  	v5 =	vmul.f32 v5, v2;
	_ =	sdelay $0x1  }
0x8f: {  	v4 =	vadd.f32 v4, v5;
	_ =	sdelay $0x1  }
0x90: {  	[tilespmem:v6+s30+$0x0] =	vst.idx.msk $0xffff, v4  }
0x91: {  	v4 =	vld [tilespmem:s12+$0xFFFFFF80]  }
0x92: {  	v5 =	vld [tilespmem:s14+$0xFFFFFF90]  }
0x93: {  	v6 =	vld [tilespmem:s14+$0xFFFFFF80]  }
0x94: {  	v7 =	vld [tilespmem:s12+$0xFFFFFF90];
	_ =	sdelay $0x3  }
0x95: {  	v4 =	vmul.f32 v6, v4;
	v6 =	vadd.s32 s15, v0  }
0x96: {  	v5 =	vmul.f32 v5, v7;
	v6 =	vand.u32 $0x3FF8, v6  }
0x97: {  	v6 =	vor.u32 v1, v6  }
0x98: {  	v4 =	vmul.f32 v4, v2;
	v5 =	vmul.f32 v5, v3;
	_ =	sdelay $0x1  }
0x99: {  	v4 =	vadd.f32 v5, v4;
	_ =	sdelay $0x1  }
0x9a: {  	[tilespmem:v6+s30+$0x0] =	vst.idx.msk $0xffff, v4  }
0x9b: {  	v4 =	vld [tilespmem:s14+$0xFFFFFFB0]  }
0x9c: {  	v5 =	vld [tilespmem:s14+$0xFFFFFFA0]  }
0x9d: {  	v6 =	vld [tilespmem:s12+$0xFFFFFFA0]  }
0x9e: {  	v7 =	vld [tilespmem:s12+$0xFFFFFFB0];
	_ =	sdelay $0x3  }
0x9f: {  	v5 =	vmul.f32 v5, v6  }
0xa0: {  	s19 =	sadd.s32 $0x1, s15;
	v4 =	vmul.f32 v4, v7  }
0xa1: {  	v6 =	vadd.s32 s19, v0;
	v5 =	vmul.f32 v5, v2  }
0xa2: {  	v4 =	vmul.f32 v4, v3;
	_ =	sdelay $0x1  }
0xa3: {  	v4 =	vadd.f32 v4, v5;
	_ =	sdelay $0x1  }
0xa4: {  	[tilespmem:v6+s30+$0x0] =	vst.idx.msk $0xffff, v4  }
0xa5: {  	v4 =	vld [tilespmem:s12+$0xFFFFFFC0]  }
0xa6: {  	v5 =	vld [tilespmem:s12+$0xFFFFFFD0]  }
0xa7: {  	v6 =	vld [tilespmem:s14+$0xFFFFFFD0]  }
0xa8: {  	v7 =	vld [tilespmem:s14+$0xFFFFFFC0];
	_ =	sdelay $0x3  }
0xa9: {  	v5 =	vmul.f32 v6, v5  }
0xaa: {  	s19 =	sadd.s32 $0x2, s15;
	v4 =	vmul.f32 v7, v4  }
0xab: {  	v6 =	vadd.s32 s19, v0  }
0xac: {  	v5 =	vmul.f32 v5, v3;
	v4 =	vmul.f32 v4, v2;
	_ =	sdelay $0x1  }
0xad: {  	v4 =	vadd.f32 v5, v4;
	_ =	sdelay $0x1  }
0xae: {  	[tilespmem:v6+s30+$0x0] =	vst.idx.msk $0xffff, v4  }
0xaf: {  	v4 =	vld [tilespmem:s14+$0xFFFFFFF0]  }
0xb0: {  	v5 =	vld [tilespmem:s12+$0xFFFFFFF0]  }
0xb1: {  	v6 =	vld [tilespmem:s12+$0xFFFFFFE0]  }
0xb2: {  	v7 =	vld [tilespmem:s14+$0xFFFFFFE0];
	_ =	sdelay $0x2  }
0xb3: {  	v4 =	vmul.f32 v4, v5;
	_ =	sdelay $0x1  }
0xb4: {  	s19 =	sadd.s32 $0x3, s15;
	v5 =	vmul.f32 v7, v6;
	v4 =	vmul.f32 v4, v3  }
0xb5: {  	v6 =	vadd.s32 s19, v0  }
0xb6: {  	v5 =	vmul.f32 v5, v2;
	_ =	sdelay $0x1  }
0xb7: {  	v4 =	vadd.f32 v4, v5;
	_ =	sdelay $0x1  }
0xb8: {  	[tilespmem:v6+s30+$0x0] =	vst.idx.msk $0xffff, v4  }
0xb9: {  	v4 =	vld [tilespmem:s14+$0x10]  }
0xba: {  	v5 =	vld [tilespmem:s14+$0x0]  }
0xbb: {  	v6 =	vld [tilespmem:s12+$0x10]  }
0xbc: {  	v7 =	vld [tilespmem:s12+$0x0];
	_ =	sdelay $0x3  }
0xbd: {  	v4 =	vmul.f32 v4, v6  }
0xbe: {  	s19 =	sadd.s32 $0x4, s15;
	v5 =	vmul.f32 v5, v7  }
0xbf: {  	v6 =	vadd.s32 s19, v0  }
0xc0: {  	v4 =	vmul.f32 v4, v3;
	v5 =	vmul.f32 v5, v2;
	_ =	sdelay $0x1  }
0xc1: {  	v4 =	vadd.f32 v4, v5;
	_ =	sdelay $0x1  }
0xc2: {  	[tilespmem:v6+s30+$0x0] =	vst.idx.msk $0xffff, v4  }
0xc3: {  	v4 =	vld [tilespmem:s12+$0x30]  }
0xc4: {  	v5 =	vld [tilespmem:s12+$0x20]  }
0xc5: {  	v6 =	vld [tilespmem:s14+$0x30]  }
0xc6: {  	v7 =	vld [tilespmem:s14+$0x20];
	_ =	sdelay $0x3  }
0xc7: {  	v4 =	vmul.f32 v6, v4  }
0xc8: {  	s19 =	sadd.s32 $0x5, s15;
	v5 =	vmul.f32 v7, v5  }
0xc9: {  	v6 =	vadd.s32 s19, v0  }
0xca: {  	v4 =	vmul.f32 v4, v3;
	v5 =	vmul.f32 v5, v2;
	_ =	sdelay $0x1  }
0xcb: {  	v4 =	vadd.f32 v4, v5;
	_ =	sdelay $0x1  }
0xcc: {  	[tilespmem:v6+s30+$0x0] =	vst.idx.msk $0xffff, v4  }
0xcd: {  	v4 =	vld [tilespmem:s14+$0x50]  }
0xce: {  	v7 =	vld [tilespmem:s12+$0x50]  }
0xcf: {  	v5 =	vld [tilespmem:s12+$0x40]  }
.Ltmp0:
0xd0: {  	v6 =	vld [tilespmem:s14+$0x40];
	(pc) =	sbr.rel @p0 .LBB2_2-.Ltmp0, $2  }
0xd1: {  	_ =	sdelay $0x1  }
0xd2: {  	v4 =	vmul.f32 v4, v7;
	_ =	sdelay $0x1  }
0xd3: {  	v5 =	vmul.f32 v6, v5;
	s12 =	sadd.s32 $0x6, s15  }
0xd4: {  	v41 =	vadd.s32 s12, v0  }
0xd5: {  	v4 =	vmul.f32 v4, v3;
	v5 =	vmul.f32 v5, v2;
	_ =	sdelay $0x1  }
0xd6: {  	v4 =	vadd.f32 v4, v5;
	_ =	sdelay $0x1  }
0xd7: {  	[tilespmem:v41+s30+$0x0] =	vst.idx.msk $0xffff, v4  }
0xd8: {  	v4 =	vld [tilespmem:s17+$0x70]  }
0xd9: {  	v42 =	vld [tilespmem:s17+$0x60]  }
0xda: {  	v6 =	vld [tilespmem:s16+$0x70]  }
0xdb: {  	v7 =	vld [tilespmem:s16+$0x60];
	_ =	sdelay $0x4  }
0xdc: {  	s20 =	sadd.s32 $0x7, s15;
	v4 =	vmul.f32 v4, v6;
	v5 =	vmul.f32 v42, v7  }
0xdd: {  	v43 =	vadd.s32 s20, v0  }
0xde: {  	v3 =	vmul.f32 v4, v3;
	v2 =	vmul.f32 v5, v2;
	_ =	sdelay $0x1  }
0xdf: {  	v2 =	vadd.f32 v3, v2;
	_ =	sdelay $0x1  }
0xe0: {  	[tilespmem:v43+s30+$0x0] =	vst.idx.msk $0xffff, v2  }
0xe1: {  	v2 =	vld [tilespmem:s3+$0xFFFFEFF8]  }
0xe2: {  	v3 =	vld [tilespmem:s3+$0xFFFFF1F9];
	_ =	sdelay $0x1  }
0xe3: {  	v44 =	vld [tilespmem:s3+$0xFFFFF3FA];
	_ =	sdelay $0x1  }
0xe4: {  	v45 =	vld [tilespmem:s3+$0xFFFFF5FB]  }
0xe5: {  	v2 =	vadd.f32 v3, v2  }
0xe6: {  	v3 =	vld [tilespmem:s3+$0xFFFFF7FC]  }
0xe7: {  	v2 =	vadd.f32 v44, v2  }
0xe8: {  	v46 =	vld [tilespmem:s3+$0xFFFFF9FD]  }
0xe9: {  	v2 =	vadd.f32 v45, v2  }
0xea: {  	v47 =	vld [tilespmem:s3+$0xFFFFFBFE]  }
0xeb: {  	v2 =	vadd.f32 v3, v2  }
0xec: {  	v3 =	vld [tilespmem:s3+$0xFFFFFDFF]  }
0xed: {  	v2 =	vadd.f32 v46, v2  }
0xee: {  	v48 =	vld [tilespmem:s3+$0x0]  }
0xef: {  	v2 =	vadd.f32 v47, v2  }
0xf0: {  	v49 =	vld [tilespmem:s3+$0x201]  }
0xf1: {  	v2 =	vadd.f32 v3, v2  }
0xf2: {  	v3 =	vld [tilespmem:s3+$0x402]  }
0xf3: {  	v2 =	vadd.f32 v48, v2  }
0xf4: {  	v50 =	vld [tilespmem:s3+$0x603]  }
0xf5: {  	v2 =	vadd.f32 v49, v2  }
0xf6: {  	v51 =	vld [tilespmem:s3+$0x804]  }
0xf7: {  	v2 =	vadd.f32 v3, v2  }
0xf8: {  	v3 =	vld [tilespmem:s3+$0xA05]  }
0xf9: {  	v2 =	vadd.f32 v50, v2  }
0xfa: {  	v52 =	vld [tilespmem:s3+$0xC06]  }
0xfb: {  	v2 =	vadd.f32 v51, v2  }
0xfc: {  	v53 =	vld [tilespmem:s3+$0xE07]  }
0xfd: {  	v2 =	vadd.f32 v3, v2;
	_ =	sdelay $0x1  }
0xfe: {  	v2 =	vadd.f32 v52, v2;
	_ =	sdelay $0x1  }
0xff: {  	v2 =	vadd.f32 v53, v2;
	_ =	sdelay $0x1  }
0x100: {  	v2 =	vsub.f32 $0.0e+00, v2;
	_ =	sdelay $0x1  }
0x101: {  	v2 =	vmul.f32 $1.442695020e+00, v2;
	_ =	sdelay $0x1  }
0x102: {  	(erf) = vpow2.f32 v2;
	_ =	sdelay $0x8  }
0x103: {  	v2 =	vpop (erf)  }
0x104: {  	v2 =	vadd.f32 $1.000000000e+00, v2;
	_ =	sdelay $0x1  }
0x105: {  	(erf) = vrcp.f32 v2;
	_ =	sdelay $0x8  }
0x106: {  	v2 =	vpop (erf)  }
0x107: {  	[tilespmem:s1+$0xFFFFFFF0] =	vst v2  }
0x108: {  	v2 =	vld [tilespmem:s3+$0xFFFFF008]  }
0x109: {  	v3 =	vld [tilespmem:s3+$0xFFFFF209];
	_ =	sdelay $0x1  }
0x10a: {  	v54 =	vld [tilespmem:s3+$0xFFFFF40A];
	_ =	sdelay $0x1  }
0x10b: {  	v55 =	vld [tilespmem:s3+$0xFFFFF60B]  }
0x10c: {  	v2 =	vadd.f32 v3, v2  }
0x10d: {  	v3 =	vld [tilespmem:s3+$0xFFFFF80C]  }
0x10e: {  	v2 =	vadd.f32 v54, v2  }
0x10f: {  	v56 =	vld [tilespmem:s3+$0xFFFFFA0D]  }
0x110: {  	v2 =	vadd.f32 v55, v2  }
0x111: {  	v57 =	vld [tilespmem:s3+$0xFFFFFC0E]  }
0x112: {  	v2 =	vadd.f32 v3, v2  }
0x113: {  	v3 =	vld [tilespmem:s3+$0xFFFFFE0F]  }
0x114: {  	v2 =	vadd.f32 v56, v2  }
0x115: {  	v58 =	vld [tilespmem:s3+$0x10]  }
0x116: {  	v2 =	vadd.f32 v57, v2  }
0x117: {  	v59 =	vld [tilespmem:s3+$0x211]  }
0x118: {  	v2 =	vadd.f32 v3, v2  }
0x119: {  	v3 =	vld [tilespmem:s3+$0x412]  }
0x11a: {  	v2 =	vadd.f32 v58, v2  }
0x11b: {  	v60 =	vld [tilespmem:s3+$0x613]  }
0x11c: {  	v2 =	vadd.f32 v59, v2  }
0x11d: {  	v61 =	vld [tilespmem:s3+$0x814]  }
0x11e: {  	v2 =	vadd.f32 v3, v2  }
0x11f: {  	v3 =	vld [tilespmem:s3+$0xA15]  }
0x120: {  	v2 =	vadd.f32 v60, v2  }
0x121: {  	v62 =	vld [tilespmem:s3+$0xC16]  }
0x122: {  	v2 =	vadd.f32 v61, v2  }
0x123: {  	v63 =	vld [tilespmem:s3+$0xE17]  }
0x124: {  	v2 =	vadd.f32 v3, v2;
	_ =	sdelay $0x1  }
0x125: {  	v2 =	vadd.f32 v62, v2;
	_ =	sdelay $0x1  }
0x126: {  	v2 =	vadd.f32 v63, v2;
	_ =	sdelay $0x1  }
0x127: {  	v2 =	vsub.f32 $0.0e+00, v2;
	_ =	sdelay $0x1  }
0x128: {  	v2 =	vmul.f32 $1.442695020e+00, v2;
	_ =	sdelay $0x1  }
0x129: {  	(erf) = vpow2.f32 v2;
	_ =	sdelay $0x8  }
0x12a: {  	v2 =	vpop (erf)  }
0x12b: {  	v2 =	vadd.f32 $1.000000000e+00, v2;
	_ =	sdelay $0x1  }
0x12c: {  	s14 =	simm.s32 $0xA440;
	s12 =	simm.s32 $0x0;
	(erf) = vrcp.f32 v2  }
.LBB2_4:
0x12d: {  	_ =	sdelay $0x7  }
0x12e: {  	s12 =	sadd.s32 $0x2, s12;
	s3 =	sadd.s32 $0x20, s3;
	s1 =	sadd.s32 $0x20, s1;
	v2 =	vpop (erf)  }
0x12f: {  	p0 =	slt.u32 s12, $0x1E;
	[tilespmem:s14+$0x0] =	vst v2;
	s14 =	smov.u32 s1  }
0x130: {  	v2 =	vld [tilespmem:s3+$0xFFFFEFF8]  }
0x131: {  	v3 =	vld [tilespmem:s3+$0xFFFFF1F9];
	_ =	sdelay $0x1  }
0x132: {  	v4 =	vld [tilespmem:s3+$0xFFFFF3FA];
	_ =	sdelay $0x1  }
0x133: {  	v5 =	vld [tilespmem:s3+$0xFFFFF5FB]  }
0x134: {  	v2 =	vadd.f32 v3, v2  }
0x135: {  	v3 =	vld [tilespmem:s3+$0xFFFFF7FC]  }
0x136: {  	v2 =	vadd.f32 v4, v2  }
0x137: {  	v4 =	vld [tilespmem:s3+$0xFFFFF9FD]  }
0x138: {  	v2 =	vadd.f32 v5, v2  }
0x139: {  	v5 =	vld [tilespmem:s3+$0xFFFFFBFE]  }
0x13a: {  	v2 =	vadd.f32 v3, v2  }
0x13b: {  	v3 =	vld [tilespmem:s3+$0xFFFFFDFF]  }
0x13c: {  	v2 =	vadd.f32 v4, v2  }
0x13d: {  	v4 =	vld [tilespmem:s3+$0x0]  }
0x13e: {  	v2 =	vadd.f32 v5, v2  }
0x13f: {  	v5 =	vld [tilespmem:s3+$0x201]  }
0x140: {  	v2 =	vadd.f32 v3, v2  }
0x141: {  	v3 =	vld [tilespmem:s3+$0x402]  }
0x142: {  	v2 =	vadd.f32 v4, v2  }
0x143: {  	v4 =	vld [tilespmem:s3+$0x603]  }
0x144: {  	v2 =	vadd.f32 v5, v2  }
0x145: {  	v5 =	vld [tilespmem:s3+$0x804]  }
0x146: {  	v2 =	vadd.f32 v3, v2  }
0x147: {  	v3 =	vld [tilespmem:s3+$0xA05]  }
0x148: {  	v2 =	vadd.f32 v4, v2  }
0x149: {  	v4 =	vld [tilespmem:s3+$0xC06]  }
0x14a: {  	v2 =	vadd.f32 v5, v2  }
0x14b: {  	v5 =	vld [tilespmem:s3+$0xE07]  }
0x14c: {  	v2 =	vadd.f32 v3, v2;
	_ =	sdelay $0x1  }
0x14d: {  	v2 =	vadd.f32 v4, v2;
	_ =	sdelay $0x1  }
0x14e: {  	v2 =	vadd.f32 v5, v2;
	_ =	sdelay $0x1  }
0x14f: {  	v2 =	vsub.f32 $0.0e+00, v2;
	_ =	sdelay $0x1  }
0x150: {  	v2 =	vmul.f32 $1.442695020e+00, v2;
	_ =	sdelay $0x1  }
0x151: {  	(erf) = vpow2.f32 v2;
	_ =	sdelay $0x8  }
0x152: {  	v2 =	vpop (erf)  }
0x153: {  	v2 =	vadd.f32 $1.000000000e+00, v2;
	_ =	sdelay $0x1  }
0x154: {  	(erf) = vrcp.f32 v2;
	_ =	sdelay $0x8  }
0x155: {  	v2 =	vpop (erf)  }
0x156: {  	[tilespmem:s1+$0xFFFFFFF0] =	vst v2  }
0x157: {  	v2 =	vld [tilespmem:s3+$0xFFFFF008]  }
0x158: {  	v3 =	vld [tilespmem:s3+$0xFFFFF209]  }
0x159: {  	v4 =	vld [tilespmem:s3+$0xFFFFF40A];
	_ =	sdelay $0x1  }
0x15a: {  	v5 =	vld [tilespmem:s3+$0xFFFFF60B];
	_ =	sdelay $0x1  }
0x15b: {  	v2 =	vadd.f32 v3, v2;
	v3 =	vld [tilespmem:s3+$0xFFFFF80C];
	_ =	sdelay $0x1  }
0x15c: {  	v2 =	vadd.f32 v4, v2;
	v4 =	vld [tilespmem:s3+$0xFFFFFA0D];
	_ =	sdelay $0x1  }
0x15d: {  	v2 =	vadd.f32 v5, v2;
	v5 =	vld [tilespmem:s3+$0xFFFFFC0E];
	_ =	sdelay $0x1  }
0x15e: {  	v2 =	vadd.f32 v3, v2;
	v3 =	vld [tilespmem:s3+$0xFFFFFE0F];
	_ =	sdelay $0x1  }
0x15f: {  	v2 =	vadd.f32 v4, v2;
	v4 =	vld [tilespmem:s3+$0x10];
	_ =	sdelay $0x1  }
0x160: {  	v2 =	vadd.f32 v5, v2;
	v5 =	vld [tilespmem:s3+$0x211];
	_ =	sdelay $0x1  }
0x161: {  	v2 =	vadd.f32 v3, v2;
	v3 =	vld [tilespmem:s3+$0x412];
	_ =	sdelay $0x1  }
0x162: {  	v2 =	vadd.f32 v4, v2;
	v4 =	vld [tilespmem:s3+$0x613];
	_ =	sdelay $0x1  }
0x163: {  	v2 =	vadd.f32 v5, v2;
	v5 =	vld [tilespmem:s3+$0x814];
	_ =	sdelay $0x1  }
0x164: {  	v2 =	vadd.f32 v3, v2;
	v3 =	vld [tilespmem:s3+$0xA15];
	_ =	sdelay $0x1  }
0x165: {  	v2 =	vadd.f32 v4, v2;
	v4 =	vld [tilespmem:s3+$0xC16];
	_ =	sdelay $0x1  }
0x166: {  	v2 =	vadd.f32 v5, v2;
	v5 =	vld [tilespmem:s3+$0xE17];
	_ =	sdelay $0x1  }
0x167: {  	v2 =	vadd.f32 v3, v2;
	_ =	sdelay $0x1  }
0x168: {  	v2 =	vadd.f32 v4, v2;
	_ =	sdelay $0x1  }
0x169: {  	v2 =	vadd.f32 v5, v2;
	_ =	sdelay $0x1  }
0x16a: {  	v2 =	vsub.f32 $0.0e+00, v2;
	_ =	sdelay $0x1  }
0x16b: {  	v2 =	vmul.f32 $1.442695020e+00, v2;
	_ =	sdelay $0x1  }
0x16c: {  	(erf) = vpow2.f32 v2;
	_ =	sdelay $0x7  }
.Ltmp1:
0x16d: {  	(pc) =	sbr.rel @p0 .LBB2_4-.Ltmp1, $3  }
0x16e: {  	v2 =	vpop (erf)  }
0x16f: {  	v2 =	vadd.f32 $1.000000000e+00, v2;
	_ =	sdelay $0x1  }
0x170: {  	(erf) = vrcp.f32 v2  }
0x171: {  	_ =	sdelay $0x6  }
0x172: {  	s0 =	sadd.s32 $0x1, s0  }
0x173: {  	p0 =	sne.s32 s0, s9;
	v2 =	vpop (erf)  }
.Ltmp2:
0x174: {  	[tilespmem:s14+$0x0] =	vst v2;
	(pc) =	sbr.rel @p0 .LBB2_1-.Ltmp2, $4  }
0x175: {  	[hbm4b:s8+s2] =	stream.linear.scatter [tilespmem:s31], [sflag:$0x3], $0x200, $0x38;
	[tilespmem:$0xA630] =	vst v63  }
0x176: {  	_ =	swait.ge [sflag:s10], $0x200  }
0x177: {  	[sflag:s10] =	ssyncset.done $0x0  }
0x178: {  	[sflag:s10] =	ssyncadd.s32 $0xFFFFFE00  }
0x179: {  	_ =	sfence.sel $0x180000  }
0x17a: {  	[bflag:$0x0] =	sbarrier.arrive $0xFFFF  }
0x17b: {  	_ =	strace $0x90000047  }
0x17c: {  	s0 =	stileid.u32;
	[bflag:$0x2] =	sbarrier.arrive $0xFFFF  }
0x17d: {  	p0 =	sne.s32 s0, $0x0;
	s0 =	rddreg [dreg:$0x5]  }
0x17e: {  	s0 =	sadd.s32 @!p0 $0x100000, s0  }
0x17f: {  	[sflag:s0] =	ssyncadd.tile.s32 @!p0 $0x1;
	_ =	shalt  }
.Lfunc_end2:
_tile_overlayer_lowered:
.L_overlay_start_2:
0x180: {  	(tag) =	ssettag $0x2  }
0x181: {  	s0 =	rddreg [dreg:$0x0];
	s2 =	stileid.u32  }
0x182: {  	s1 =	rddreg [dreg:$0x1];
	p0 =	sne.s32 s2, $0x0  }
0x183: {  	s3 =	rddreg [dreg:$0x2];
	[bflag:$0x3] =	sbarrier.arrive $0xFFFF;
	s2 =	simm.s32 @!p0 $0x1C03  }
0x184: {  	[timem:s3], [sflag:s2] =	dma.local @!p0 [hbm:s0], s1  }
0x185: {  	s0 =	simm.s32 @!p0 $0x3  }
0x186: {  	_ =	swait.ge @!p0 [sflag:s0], s1  }
0x187: {  	s1 =	ssub.s32 @!p0 $0x0, s1;
	[sflag:s0] =	ssyncset.done @!p0 $0x0  }
0x188: {  	[sflag:s0] =	ssyncadd.s32 @!p0 s1  }
0x189: {  	[bflag:$0x3] =	sbarrier.arrive $0xFFFF  }
0x18a: {  	_ =	shalt  }

</sc_bundles>
